<compile_context>
chip_gen: v7x
topology: tpu7x:2x2x1
jax: 0.10.2.dev20260603
libtpu: 0.0.44.dev20260713+nightly
codegen_flags: <defaults>
</compile_context>

<pallas_src>
import functools

import jax
import jax.numpy as jnp
from jax import lax
from jax.experimental import pallas as pl
from jax.experimental.pallas import tpu as pltpu
from jax.experimental.pallas import tpu_sc as plsc

P_MEAN = -0.4
P_STD = 1.0
BANDWIDTH = 0.3
BATCH = 16384
NUM_EXPERTS = 64
NUM_CORES = 2
NUM_SUBCORES = 16
NUM_WORKERS = NUM_CORES * NUM_SUBCORES
EXPERTS_PER_W = 8
SIGMA_GROUPS = NUM_WORKERS // (NUM_EXPERTS // EXPERTS_PER_W)
COLS_PER_W = BATCH // SIGMA_GROUPS
NK = COLS_PER_W // 16
NUM_CHUNKS = 4


def _mask_body(sigma_hbm, th_hbm, out_hbm, sig_v, th_v, out_v, sem,
               sem_in):
    wid = lax.axis_index("s") * NUM_CORES + lax.axis_index("c")
    erow = wid // SIGMA_GROUPS
    base = (wid % SIGMA_GROUPS) * COLS_PER_W
    in0 = pltpu.async_copy(sigma_hbm.at[pl.ds(base, COLS_PER_W)], sig_v,
                           sem_in)
    in1 = pltpu.async_copy(th_hbm, th_v, sem)
    in1.wait()

    one = jnp.full((16,), 1.0, jnp.float32)
    zero = jnp.full((16,), 0.0, jnp.float32)

    lo_s = [plsc.load_gather(th_v, [jnp.full((16,), EXPERTS_PER_W * erow + i,
                                             jnp.int32)])
            for i in range(EXPERTS_PER_W)]
    hi_s = [plsc.load_gather(th_v, [jnp.full((16,), NUM_EXPERTS
                                             + EXPERTS_PER_W * erow + i,
                                             jnp.int32)])
            for i in range(EXPERTS_PER_W)]
    in0.wait()

    def col_body(k, carry):
        sv = sig_v[pl.ds(16 * k, 16)]
        for i in range(EXPERTS_PER_W):
            m = (sv >= lo_s[i]) & (sv <= hi_s[i])
            out_v[i, pl.ds(16 * k, 16)] = jnp.where(m, one, zero)
        return carry

    chunk = COLS_PER_W // NUM_CHUNKS
    copies = []
    for c in range(NUM_CHUNKS):
        @plsc.parallel_loop((NK // NUM_CHUNKS) * c,
                            (NK // NUM_CHUNKS) * (c + 1), unroll=1)
        def _loop(k):
            col_body(k, 0)
        copies.append(pltpu.async_copy(
            out_v.at[:, pl.ds(chunk * c, chunk)],
            out_hbm.at[pl.ds(EXPERTS_PER_W * erow, EXPERTS_PER_W),
                       pl.ds(base + chunk * c, chunk)],
            sem))
    for cp in copies:
        cp.wait()


@functools.partial(jax.jit, static_argnames=())
def kernel(sigma, expert_centers):
    sigma = jnp.ravel(sigma).astype(jnp.float32)
    c = jnp.ravel(expert_centers).astype(jnp.float32)

    sqrt2 = jnp.sqrt(jnp.float32(2.0))
    a = 2.0 * jnp.concatenate([c - BANDWIDTH, c + BANDWIDTH]) - 1.0
    z = jax.scipy.special.erfinv(jnp.clip(a, -1.0, 1.0))
    th = jnp.where(a <= -1.0, jnp.float32(0.0),
                   jnp.where(a >= 1.0, jnp.float32(jnp.inf),
                             jnp.exp(P_MEAN + P_STD * sqrt2 * z)))

    run = pl.kernel(
        _mask_body,
        out_type=jax.ShapeDtypeStruct((NUM_EXPERTS, BATCH), jnp.float32),
        mesh=plsc.VectorSubcoreMesh(
            core_axis_name="c", subcore_axis_name="s",
            num_cores=NUM_CORES, num_subcores=NUM_SUBCORES),
        scratch_types=[
            pltpu.VMEM((COLS_PER_W,), jnp.float32),
            pltpu.VMEM((2 * NUM_EXPERTS,), jnp.float32),
            pltpu.VMEM((EXPERTS_PER_W, COLS_PER_W), jnp.float32),
            pltpu.SemaphoreType.DMA,
            pltpu.SemaphoreType.DMA,
        ],
        compiler_params=pltpu.CompilerParams(needs_layout_passes=False),
    )
    return run(sigma, th).T

# --- scband reference (transcript-rebuilt; emitter-appended) ---
"""Pipeline reference for scband-mask-generator-10453950398503 (READ-ONLY COPY).

The authoritative reference and input builder live on the scoring server;
editing this copy changes nothing except your own understanding.
"""

import jax, jax.numpy as jnp
import numpy as np
from jax.scipy.special import erf

P_MEAN = -0.4
P_STD = 1.0
BANDWIDTH = 0.3
MIN_ACTIVE = 2
EXPERT_ATTRIBUTES = [1,3,5,7,9,11,13,15,17,19,21,23,25,27,29,31,33,35,37,39,41,43,45,47,49,51,53,55,57,59,61,63,65,67,69,71,73,75,77,79,81,83,85,87,89,91,93,95,97,99,101,103,105,107,109,111,113,115,117,119,121,123,125,127]
BATCH = 16384


def _make_expert_centers():
    attrs = jnp.asarray(EXPERT_ATTRIBUTES, dtype=jnp.float32)
    a_min = attrs.min()
    a_max = attrs.max()
    return (attrs - a_min) / (a_max - a_min + 1e-08)


def setup_inputs(seed: int = 0) -> dict:
    key = jax.random.key(seed)
    sigma = jax.random.uniform(key, (BATCH,), dtype=jnp.float32)
    expert_centers = _make_expert_centers()
    return {"sigma": sigma, "expert_centers": expert_centers}


def reference(sigma, expert_centers):
    s = jnp.ravel(sigma)
    log_sigma = jnp.log(s)
    sigma_percentile = 0.5 * (1.0 + erf((log_sigma - P_MEAN) / (P_STD * np.sqrt(2.0))))
    sigma_percentile = jnp.clip(sigma_percentile, 0.0, 1.0)
    dist = jnp.abs(sigma_percentile[:, None] - expert_centers[None, :])
    mask = (dist <= BANDWIDTH).astype(jnp.float32)
    _, top_indices = jax.lax.top_k(-dist, MIN_ACTIVE)
    rows = jnp.arange(s.shape[0])[:, None]
    mask = mask.at[rows, top_indices].set(1.0)
    return mask

if __name__ == "__main__":
    import jax
    _d = setup_inputs()
    print(jax.jit(kernel)(*tuple(_d.values())))

</pallas_src>

<mosaic_0001>
#map = affine_map<(d0, d1) -> (0)>
#map1 = affine_map<(d0, d1) -> (0, 0)>
module attributes {stable_mosaic.version = 14 : i64} {
  func.func @_mask_body(%arg0: i32, %arg1: i32, %arg2: memref<16384xf32, #tpu.memory_space<hbm>>, %arg3: memref<128xf32, #tpu.memory_space<hbm>>, %arg4: memref<64x16384xf32, #tpu.memory_space<hbm>>, %arg5: memref<4096xf32, #tpu.memory_space<vmem>>, %arg6: memref<128xf32, #tpu.memory_space<vmem>>, %arg7: memref<8x4096xf32, #tpu.memory_space<vmem>>, %arg8: memref<!tpu.dma_semaphore, #tpu.memory_space<semaphore_mem>>, %arg9: memref<!tpu.dma_semaphore, #tpu.memory_space<semaphore_mem>>) attributes {dimension_semantics = [#tpu.dimension_semantics<core_parallel>, #tpu.dimension_semantics<subcore_parallel>], iteration_bounds = array<i64: 2, 16>, scalar_prefetch = 0 : i64, scratch_operands = 5 : i64, tpu.core_type = #tpu.core_type<sc_vector_subcore>, window_params = [{transform_indices = #map}, {transform_indices = #map}, {transform_indices = #map1}]} {
    %mul3A = arith.constant 2 : i32
    %mul3A_0 = arith.muli %arg1, %mul3A : i32
    %add3A = arith.addi %mul3A_0, %arg0 : i32
    %jit3A = arith.constant 4 : i32
    %div3A = arith.divsi %add3A, %jit3A : i32
    %sign3A = arith.constant 0 : i32
    %sign3A_1 = arith.cmpi sgt, %add3A, %sign3A : i32
    %sign3A_2 = arith.extui %sign3A_1 : i1 to i32
    %sign3A_3 = arith.constant 0 : i32
    %sign3A_4 = arith.cmpi slt, %add3A, %sign3A_3 : i32
    %sign3A_5 = arith.extui %sign3A_4 : i1 to i32
    %sign3A_6 = arith.subi %sign3A_2, %sign3A_5 : i32
    %sign3A_7 = arith.constant 0 : i32
    %sign3A_8 = arith.cmpi sgt, %jit3A, %sign3A_7 : i32
    %sign3A_9 = arith.extui %sign3A_8 : i1 to i32
    %sign3A_10 = arith.constant 0 : i32
    %sign3A_11 = arith.cmpi slt, %jit3A, %sign3A_10 : i32
    %sign3A_12 = arith.extui %sign3A_11 : i1 to i32
    %sign3A_13 = arith.subi %sign3A_9, %sign3A_12 : i32
    %ne3A = arith.cmpi ne, %sign3A_6, %sign3A_13 : i32
    %rem3A = arith.remsi %add3A, %jit3A : i32
    %ne3A_14 = arith.constant 0 : i32
    %ne3A_15 = arith.cmpi ne, %rem3A, %ne3A_14 : i32
    %and3A = arith.andi %ne3A, %ne3A_15 : i1
    %sub3A = arith.constant 1 : i32
    %sub3A_16 = arith.subi %div3A, %sub3A : i32
    %select_n3A = arith.select %and3A, %sub3A_16, %div3A : i32
    %jit3A_17 = arith.constant 4 : i32
    %eq3A = arith.constant 0 : i32
    %eq3A_18 = arith.cmpi eq, %jit3A_17, %eq3A : i32
    %jit3A_19 = arith.constant 1 : i32
    %select_n3A_20 = arith.select %eq3A_18, %jit3A_19, %jit3A_17 : i32
    %rem3A_21 = arith.remsi %add3A, %select_n3A_20 : i32
    %ne3A_22 = arith.constant 0 : i32
    %ne3A_23 = arith.cmpi ne, %rem3A_21, %ne3A_22 : i32
    %lt3A = arith.constant 0 : i32
    %lt3A_24 = arith.cmpi slt, %rem3A_21, %lt3A : i32
    %lt3A_25 = arith.constant 0 : i32
    %lt3A_26 = arith.cmpi slt, %select_n3A_20, %lt3A_25 : i32
    %ne3A_27 = arith.xori %lt3A_24, %lt3A_26 : i1
    %and3A_28 = arith.andi %ne3A_27, %ne3A_23 : i1
    %add3A_29 = arith.addi %rem3A_21, %select_n3A_20 : i32
    %select_n3A_30 = arith.select %and3A_28, %add3A_29, %rem3A_21 : i32
    %mul3A_31 = arith.constant 4096 : i32
    %mul3A_32 = arith.muli %select_n3A_30, %mul3A_31 : i32
    %dma_start3A = tpu.memref_slice %arg2[%mul3A_32] : memref<16384xf32, #tpu.memory_space<hbm>> -> memref<4096xf32, #tpu.memory_space<hbm>>
    %dma_start3A_33 = tpu.memref_slice %arg2[%mul3A_32] : memref<16384xf32, #tpu.memory_space<hbm>> -> memref<4096xf32, #tpu.memory_space<hbm>>
    tpu.enqueue_dma source(%dma_start3A_33 : memref<4096xf32, #tpu.memory_space<hbm>>) target(%arg5 : memref<4096xf32, #tpu.memory_space<vmem>>) target_semaphore(%arg9 : memref<!tpu.dma_semaphore, #tpu.memory_space<semaphore_mem>>)
    tpu.enqueue_dma source(%arg3 : memref<128xf32, #tpu.memory_space<hbm>>) target(%arg6 : memref<128xf32, #tpu.memory_space<vmem>>) target_semaphore(%arg8 : memref<!tpu.dma_semaphore, #tpu.memory_space<semaphore_mem>>)
    tpu.wait_dma2 semaphore(%arg8 : memref<!tpu.dma_semaphore, #tpu.memory_space<semaphore_mem>>) src(%arg3 : memref<128xf32, #tpu.memory_space<hbm>>) dst(%arg6 : memref<128xf32, #tpu.memory_space<vmem>>)
    %broadcast_in_dim3A = arith.constant 1.000000e+00 : f32
    %broadcast_in_dim3A_34 = vector.broadcast %broadcast_in_dim3A : f32 to vector<16xf32>
    %broadcast_in_dim3A_35 = arith.constant 0.000000e+00 : f32
    %broadcast_in_dim3A_36 = vector.broadcast %broadcast_in_dim3A_35 : f32 to vector<16xf32>
    %mul3A_37 = arith.constant 8 : i32
    %mul3A_38 = arith.muli %mul3A_37, %select_n3A : i32
    %add3A_39 = arith.constant 0 : i32
    %add3A_40 = arith.addi %mul3A_38, %add3A_39 : i32
    %broadcast_in_dim3A_41 = vector.broadcast %add3A_40 : i32 to vector<16xi32>
    %gather3A = tpu.vector_load_idx %arg6[%broadcast_in_dim3A_41] : memref<128xf32, #tpu.memory_space<vmem>>[vector<16xi32>], vector<16xf32>,
    %mul3A_42 = arith.constant 8 : i32
    %mul3A_43 = arith.muli %mul3A_42, %select_n3A : i32
    %add3A_44 = arith.constant 1 : i32
    %add3A_45 = arith.addi %mul3A_43, %add3A_44 : i32
    %broadcast_in_dim3A_46 = vector.broadcast %add3A_45 : i32 to vector<16xi32>
    %gather3A_47 = tpu.vector_load_idx %arg6[%broadcast_in_dim3A_46] : memref<128xf32, #tpu.memory_space<vmem>>[vector<16xi32>], vector<16xf32>,
    %mul3A_48 = arith.constant 8 : i32
    %mul3A_49 = arith.muli %mul3A_48, %select_n3A : i32
    %add3A_50 = arith.constant 2 : i32
    %add3A_51 = arith.addi %mul3A_49, %add3A_50 : i32
    %broadcast_in_dim3A_52 = vector.broadcast %add3A_51 : i32 to vector<16xi32>
    %gather3A_53 = tpu.vector_load_idx %arg6[%broadcast_in_dim3A_52] : memref<128xf32, #tpu.memory_space<vmem>>[vector<16xi32>], vector<16xf32>,
    %mul3A_54 = arith.constant 8 : i32
    %mul3A_55 = arith.muli %mul3A_54, %select_n3A : i32
    %add3A_56 = arith.constant 3 : i32
    %add3A_57 = arith.addi %mul3A_55, %add3A_56 : i32
    %broadcast_in_dim3A_58 = vector.broadcast %add3A_57 : i32 to vector<16xi32>
    %gather3A_59 = tpu.vector_load_idx %arg6[%broadcast_in_dim3A_58] : memref<128xf32, #tpu.memory_space<vmem>>[vector<16xi32>], vector<16xf32>,
    %mul3A_60 = arith.constant 8 : i32
    %mul3A_61 = arith.muli %mul3A_60, %select_n3A : i32
    %add3A_62 = arith.constant 4 : i32
    %add3A_63 = arith.addi %mul3A_61, %add3A_62 : i32
    %broadcast_in_dim3A_64 = vector.broadcast %add3A_63 : i32 to vector<16xi32>
    %gather3A_65 = tpu.vector_load_idx %arg6[%broadcast_in_dim3A_64] : memref<128xf32, #tpu.memory_space<vmem>>[vector<16xi32>], vector<16xf32>,
    %mul3A_66 = arith.constant 8 : i32
    %mul3A_67 = arith.muli %mul3A_66, %select_n3A : i32
    %add3A_68 = arith.constant 5 : i32
    %add3A_69 = arith.addi %mul3A_67, %add3A_68 : i32
    %broadcast_in_dim3A_70 = vector.broadcast %add3A_69 : i32 to vector<16xi32>
    %gather3A_71 = tpu.vector_load_idx %arg6[%broadcast_in_dim3A_70] : memref<128xf32, #tpu.memory_space<vmem>>[vector<16xi32>], vector<16xf32>,
    %mul3A_72 = arith.constant 8 : i32
    %mul3A_73 = arith.muli %mul3A_72, %select_n3A : i32
    %add3A_74 = arith.constant 6 : i32
    %add3A_75 = arith.addi %mul3A_73, %add3A_74 : i32
    %broadcast_in_dim3A_76 = vector.broadcast %add3A_75 : i32 to vector<16xi32>
    %gather3A_77 = tpu.vector_load_idx %arg6[%broadcast_in_dim3A_76] : memref<128xf32, #tpu.memory_space<vmem>>[vector<16xi32>], vector<16xf32>,
    %mul3A_78 = arith.constant 8 : i32
    %mul3A_79 = arith.muli %mul3A_78, %select_n3A : i32
    %add3A_80 = arith.constant 7 : i32
    %add3A_81 = arith.addi %mul3A_79, %add3A_80 : i32
    %broadcast_in_dim3A_82 = vector.broadcast %add3A_81 : i32 to vector<16xi32>
    %gather3A_83 = tpu.vector_load_idx %arg6[%broadcast_in_dim3A_82] : memref<128xf32, #tpu.memory_space<vmem>>[vector<16xi32>], vector<16xf32>,
    %mul3A_84 = arith.constant 8 : i32
    %mul3A_85 = arith.muli %mul3A_84, %select_n3A : i32
    %add3A_86 = arith.constant 64 : i32
    %add3A_87 = arith.addi %add3A_86, %mul3A_85 : i32
    %add3A_88 = arith.constant 0 : i32
    %add3A_89 = arith.addi %add3A_87, %add3A_88 : i32
    %broadcast_in_dim3A_90 = vector.broadcast %add3A_89 : i32 to vector<16xi32>
    %gather3A_91 = tpu.vector_load_idx %arg6[%broadcast_in_dim3A_90] : memref<128xf32, #tpu.memory_space<vmem>>[vector<16xi32>], vector<16xf32>,
    %mul3A_92 = arith.constant 8 : i32
    %mul3A_93 = arith.muli %mul3A_92, %select_n3A : i32
    %add3A_94 = arith.constant 64 : i32
    %add3A_95 = arith.addi %add3A_94, %mul3A_93 : i32
    %add3A_96 = arith.constant 1 : i32
    %add3A_97 = arith.addi %add3A_95, %add3A_96 : i32
    %broadcast_in_dim3A_98 = vector.broadcast %add3A_97 : i32 to vector<16xi32>
    %gather3A_99 = tpu.vector_load_idx %arg6[%broadcast_in_dim3A_98] : memref<128xf32, #tpu.memory_space<vmem>>[vector<16xi32>], vector<16xf32>,
    %mul3A_100 = arith.constant 8 : i32
    %mul3A_101 = arith.muli %mul3A_100, %select_n3A : i32
    %add3A_102 = arith.constant 64 : i32
    %add3A_103 = arith.addi %add3A_102, %mul3A_101 : i32
    %add3A_104 = arith.constant 2 : i32
    %add3A_105 = arith.addi %add3A_103, %add3A_104 : i32
    %broadcast_in_dim3A_106 = vector.broadcast %add3A_105 : i32 to vector<16xi32>
    %gather3A_107 = tpu.vector_load_idx %arg6[%broadcast_in_dim3A_106] : memref<128xf32, #tpu.memory_space<vmem>>[vector<16xi32>], vector<16xf32>,
    %mul3A_108 = arith.constant 8 : i32
    %mul3A_109 = arith.muli %mul3A_108, %select_n3A : i32
    %add3A_110 = arith.constant 64 : i32
    %add3A_111 = arith.addi %add3A_110, %mul3A_109 : i32
    %add3A_112 = arith.constant 3 : i32
    %add3A_113 = arith.addi %add3A_111, %add3A_112 : i32
    %broadcast_in_dim3A_114 = vector.broadcast %add3A_113 : i32 to vector<16xi32>
    %gather3A_115 = tpu.vector_load_idx %arg6[%broadcast_in_dim3A_114] : memref<128xf32, #tpu.memory_space<vmem>>[vector<16xi32>], vector<16xf32>,
    %mul3A_116 = arith.constant 8 : i32
    %mul3A_117 = arith.muli %mul3A_116, %select_n3A : i32
    %add3A_118 = arith.constant 64 : i32
    %add3A_119 = arith.addi %add3A_118, %mul3A_117 : i32
    %add3A_120 = arith.constant 4 : i32
    %add3A_121 = arith.addi %add3A_119, %add3A_120 : i32
    %broadcast_in_dim3A_122 = vector.broadcast %add3A_121 : i32 to vector<16xi32>
    %gather3A_123 = tpu.vector_load_idx %arg6[%broadcast_in_dim3A_122] : memref<128xf32, #tpu.memory_space<vmem>>[vector<16xi32>], vector<16xf32>,
    %mul3A_124 = arith.constant 8 : i32
    %mul3A_125 = arith.muli %mul3A_124, %select_n3A : i32
    %add3A_126 = arith.constant 64 : i32
    %add3A_127 = arith.addi %add3A_126, %mul3A_125 : i32
    %add3A_128 = arith.constant 5 : i32
    %add3A_129 = arith.addi %add3A_127, %add3A_128 : i32
    %broadcast_in_dim3A_130 = vector.broadcast %add3A_129 : i32 to vector<16xi32>
    %gather3A_131 = tpu.vector_load_idx %arg6[%broadcast_in_dim3A_130] : memref<128xf32, #tpu.memory_space<vmem>>[vector<16xi32>], vector<16xf32>,
    %mul3A_132 = arith.constant 8 : i32
    %mul3A_133 = arith.muli %mul3A_132, %select_n3A : i32
    %add3A_134 = arith.constant 64 : i32
    %add3A_135 = arith.addi %add3A_134, %mul3A_133 : i32
    %add3A_136 = arith.constant 6 : i32
    %add3A_137 = arith.addi %add3A_135, %add3A_136 : i32
    %broadcast_in_dim3A_138 = vector.broadcast %add3A_137 : i32 to vector<16xi32>
    %gather3A_139 = tpu.vector_load_idx %arg6[%broadcast_in_dim3A_138] : memref<128xf32, #tpu.memory_space<vmem>>[vector<16xi32>], vector<16xf32>,
    %mul3A_140 = arith.constant 8 : i32
    %mul3A_141 = arith.muli %mul3A_140, %select_n3A : i32
    %add3A_142 = arith.constant 64 : i32
    %add3A_143 = arith.addi %add3A_142, %mul3A_141 : i32
    %add3A_144 = arith.constant 7 : i32
    %add3A_145 = arith.addi %add3A_143, %add3A_144 : i32
    %broadcast_in_dim3A_146 = vector.broadcast %add3A_145 : i32 to vector<16xi32>
    %gather3A_147 = tpu.vector_load_idx %arg6[%broadcast_in_dim3A_146] : memref<128xf32, #tpu.memory_space<vmem>>[vector<16xi32>], vector<16xf32>,
    %dma_wait3A = tpu.memref_slice %arg2[%mul3A_32] : memref<16384xf32, #tpu.memory_space<hbm>> -> memref<4096xf32, #tpu.memory_space<hbm>>
    %dma_wait3A_148 = tpu.memref_slice %arg2[%mul3A_32] : memref<16384xf32, #tpu.memory_space<hbm>> -> memref<4096xf32, #tpu.memory_space<hbm>>
    tpu.wait_dma2 semaphore(%arg9 : memref<!tpu.dma_semaphore, #tpu.memory_space<semaphore_mem>>) src(%dma_wait3A_148 : memref<4096xf32, #tpu.memory_space<hbm>>) dst(%arg5 : memref<4096xf32, #tpu.memory_space<vmem>>)
    %parallel_loop3A = arith.constant 0 : i32
    %parallel_loop3A_149 = arith.constant 64 : i32
    %parallel_loop3A_150 = arith.constant 1 : i32
    scf.for %parallel_loop3A_240 = %parallel_loop3A to %parallel_loop3A_149 step %parallel_loop3A_150  : i32 {
      %parallel_loop3A_241 = arith.constant 16 : i32
      %parallel_loop3A_242 = arith.muli %parallel_loop3A_241, %parallel_loop3A_240 : i32
      %parallel_loop3A_243 = arith.index_cast %parallel_loop3A_242 : i32 to index
      %parallel_loop3A_244 = tpu.vector_load %arg5[%parallel_loop3A_243] {strides = array<i32>} : memref<4096xf32, #tpu.memory_space<vmem>>, vector<16xf32>,
      %parallel_loop3A_245 = arith.cmpf oge, %parallel_loop3A_244, %gather3A : vector<16xf32>
      %parallel_loop3A_246 = arith.cmpf ole, %parallel_loop3A_244, %gather3A_91 : vector<16xf32>
      %parallel_loop3A_247 = arith.andi %parallel_loop3A_245, %parallel_loop3A_246 : vector<16xi1>
      %parallel_loop3A_248 = arith.select %parallel_loop3A_247, %broadcast_in_dim3A_34, %broadcast_in_dim3A_36 : vector<16xi1>, vector<16xf32>
      %parallel_loop3A_249 = arith.constant 16 : i32
      %parallel_loop3A_250 = arith.muli %parallel_loop3A_249, %parallel_loop3A_240 : i32
      %parallel_loop3A_251 = arith.constant 0 : i32
      %parallel_loop3A_252 = arith.index_cast %parallel_loop3A_251 : i32 to index
      %parallel_loop3A_253 = arith.index_cast %parallel_loop3A_250 : i32 to index
      %parallel_loop3A_254 = tpu.vector_load %arg7[%parallel_loop3A_252, %parallel_loop3A_253] {strides = array<i32>} : memref<8x4096xf32, #tpu.memory_space<vmem>>, vector<16xf32>,
      tpu.vector_store %arg7[%parallel_loop3A_252, %parallel_loop3A_253], %parallel_loop3A_248 {strides = array<i32>} : memref<8x4096xf32, #tpu.memory_space<vmem>>, vector<16xf32>,
      %parallel_loop3A_255 = arith.cmpf oge, %parallel_loop3A_244, %gather3A_47 : vector<16xf32>
      %parallel_loop3A_256 = arith.cmpf ole, %parallel_loop3A_244, %gather3A_99 : vector<16xf32>
      %parallel_loop3A_257 = arith.andi %parallel_loop3A_255, %parallel_loop3A_256 : vector<16xi1>
      %parallel_loop3A_258 = arith.select %parallel_loop3A_257, %broadcast_in_dim3A_34, %broadcast_in_dim3A_36 : vector<16xi1>, vector<16xf32>
      %parallel_loop3A_259 = arith.constant 16 : i32
      %parallel_loop3A_260 = arith.muli %parallel_loop3A_259, %parallel_loop3A_240 : i32
      %parallel_loop3A_261 = arith.constant 1 : i32
      %parallel_loop3A_262 = arith.index_cast %parallel_loop3A_261 : i32 to index
      %parallel_loop3A_263 = arith.index_cast %parallel_loop3A_260 : i32 to index
      %parallel_loop3A_264 = tpu.vector_load %arg7[%parallel_loop3A_262, %parallel_loop3A_263] {strides = array<i32>} : memref<8x4096xf32, #tpu.memory_space<vmem>>, vector<16xf32>,
      tpu.vector_store %arg7[%parallel_loop3A_262, %parallel_loop3A_263], %parallel_loop3A_258 {strides = array<i32>} : memref<8x4096xf32, #tpu.memory_space<vmem>>, vector<16xf32>,
      %parallel_loop3A_265 = arith.cmpf oge, %parallel_loop3A_244, %gather3A_53 : vector<16xf32>
      %parallel_loop3A_266 = arith.cmpf ole, %parallel_loop3A_244, %gather3A_107 : vector<16xf32>
      %parallel_loop3A_267 = arith.andi %parallel_loop3A_265, %parallel_loop3A_266 : vector<16xi1>
      %parallel_loop3A_268 = arith.select %parallel_loop3A_267, %broadcast_in_dim3A_34, %broadcast_in_dim3A_36 : vector<16xi1>, vector<16xf32>
      %parallel_loop3A_269 = arith.constant 16 : i32
      %parallel_loop3A_270 = arith.muli %parallel_loop3A_269, %parallel_loop3A_240 : i32
      %parallel_loop3A_271 = arith.constant 2 : i32
      %parallel_loop3A_272 = arith.index_cast %parallel_loop3A_271 : i32 to index
      %parallel_loop3A_273 = arith.index_cast %parallel_loop3A_270 : i32 to index
      %parallel_loop3A_274 = tpu.vector_load %arg7[%parallel_loop3A_272, %parallel_loop3A_273] {strides = array<i32>} : memref<8x4096xf32, #tpu.memory_space<vmem>>, vector<16xf32>,
      tpu.vector_store %arg7[%parallel_loop3A_272, %parallel_loop3A_273], %parallel_loop3A_268 {strides = array<i32>} : memref<8x4096xf32, #tpu.memory_space<vmem>>, vector<16xf32>,
      %parallel_loop3A_275 = arith.cmpf oge, %parallel_loop3A_244, %gather3A_59 : vector<16xf32>
      %parallel_loop3A_276 = arith.cmpf ole, %parallel_loop3A_244, %gather3A_115 : vector<16xf32>
      %parallel_loop3A_277 = arith.andi %parallel_loop3A_275, %parallel_loop3A_276 : vector<16xi1>
      %parallel_loop3A_278 = arith.select %parallel_loop3A_277, %broadcast_in_dim3A_34, %broadcast_in_dim3A_36 : vector<16xi1>, vector<16xf32>
      %parallel_loop3A_279 = arith.constant 16 : i32
      %parallel_loop3A_280 = arith.muli %parallel_loop3A_279, %parallel_loop3A_240 : i32
      %parallel_loop3A_281 = arith.constant 3 : i32
      %parallel_loop3A_282 = arith.index_cast %parallel_loop3A_281 : i32 to index
      %parallel_loop3A_283 = arith.index_cast %parallel_loop3A_280 : i32 to index
      %parallel_loop3A_284 = tpu.vector_load %arg7[%parallel_loop3A_282, %parallel_loop3A_283] {strides = array<i32>} : memref<8x4096xf32, #tpu.memory_space<vmem>>, vector<16xf32>,
      tpu.vector_store %arg7[%parallel_loop3A_282, %parallel_loop3A_283], %parallel_loop3A_278 {strides = array<i32>} : memref<8x4096xf32, #tpu.memory_space<vmem>>, vector<16xf32>,
      %parallel_loop3A_285 = arith.cmpf oge, %parallel_loop3A_244, %gather3A_65 : vector<16xf32>
      %parallel_loop3A_286 = arith.cmpf ole, %parallel_loop3A_244, %gather3A_123 : vector<16xf32>
      %parallel_loop3A_287 = arith.andi %parallel_loop3A_285, %parallel_loop3A_286 : vector<16xi1>
      %parallel_loop3A_288 = arith.select %parallel_loop3A_287, %broadcast_in_dim3A_34, %broadcast_in_dim3A_36 : vector<16xi1>, vector<16xf32>
      %parallel_loop3A_289 = arith.constant 16 : i32
      %parallel_loop3A_290 = arith.muli %parallel_loop3A_289, %parallel_loop3A_240 : i32
      %parallel_loop3A_291 = arith.constant 4 : i32
      %parallel_loop3A_292 = arith.index_cast %parallel_loop3A_291 : i32 to index
      %parallel_loop3A_293 = arith.index_cast %parallel_loop3A_290 : i32 to index
      %parallel_loop3A_294 = tpu.vector_load %arg7[%parallel_loop3A_292, %parallel_loop3A_293] {strides = array<i32>} : memref<8x4096xf32, #tpu.memory_space<vmem>>, vector<16xf32>,
      tpu.vector_store %arg7[%parallel_loop3A_292, %parallel_loop3A_293], %parallel_loop3A_288 {strides = array<i32>} : memref<8x4096xf32, #tpu.memory_space<vmem>>, vector<16xf32>,
      %parallel_loop3A_295 = arith.cmpf oge, %parallel_loop3A_244, %gather3A_71 : vector<16xf32>
      %parallel_loop3A_296 = arith.cmpf ole, %parallel_loop3A_244, %gather3A_131 : vector<16xf32>
      %parallel_loop3A_297 = arith.andi %parallel_loop3A_295, %parallel_loop3A_296 : vector<16xi1>
      %parallel_loop3A_298 = arith.select %parallel_loop3A_297, %broadcast_in_dim3A_34, %broadcast_in_dim3A_36 : vector<16xi1>, vector<16xf32>
      %parallel_loop3A_299 = arith.constant 16 : i32
      %parallel_loop3A_300 = arith.muli %parallel_loop3A_299, %parallel_loop3A_240 : i32
      %parallel_loop3A_301 = arith.constant 5 : i32
      %parallel_loop3A_302 = arith.index_cast %parallel_loop3A_301 : i32 to index
      %parallel_loop3A_303 = arith.index_cast %parallel_loop3A_300 : i32 to index
      %parallel_loop3A_304 = tpu.vector_load %arg7[%parallel_loop3A_302, %parallel_loop3A_303] {strides = array<i32>} : memref<8x4096xf32, #tpu.memory_space<vmem>>, vector<16xf32>,
      tpu.vector_store %arg7[%parallel_loop3A_302, %parallel_loop3A_303], %parallel_loop3A_298 {strides = array<i32>} : memref<8x4096xf32, #tpu.memory_space<vmem>>, vector<16xf32>,
      %parallel_loop3A_305 = arith.cmpf oge, %parallel_loop3A_244, %gather3A_77 : vector<16xf32>
      %parallel_loop3A_306 = arith.cmpf ole, %parallel_loop3A_244, %gather3A_139 : vector<16xf32>
      %parallel_loop3A_307 = arith.andi %parallel_loop3A_305, %parallel_loop3A_306 : vector<16xi1>
      %parallel_loop3A_308 = arith.select %parallel_loop3A_307, %broadcast_in_dim3A_34, %broadcast_in_dim3A_36 : vector<16xi1>, vector<16xf32>
      %parallel_loop3A_309 = arith.constant 16 : i32
      %parallel_loop3A_310 = arith.muli %parallel_loop3A_309, %parallel_loop3A_240 : i32
      %parallel_loop3A_311 = arith.constant 6 : i32
      %parallel_loop3A_312 = arith.index_cast %parallel_loop3A_311 : i32 to index
      %parallel_loop3A_313 = arith.index_cast %parallel_loop3A_310 : i32 to index
      %parallel_loop3A_314 = tpu.vector_load %arg7[%parallel_loop3A_312, %parallel_loop3A_313] {strides = array<i32>} : memref<8x4096xf32, #tpu.memory_space<vmem>>, vector<16xf32>,
      tpu.vector_store %arg7[%parallel_loop3A_312, %parallel_loop3A_313], %parallel_loop3A_308 {strides = array<i32>} : memref<8x4096xf32, #tpu.memory_space<vmem>>, vector<16xf32>,
      %parallel_loop3A_315 = arith.cmpf oge, %parallel_loop3A_244, %gather3A_83 : vector<16xf32>
      %parallel_loop3A_316 = arith.cmpf ole, %parallel_loop3A_244, %gather3A_147 : vector<16xf32>
      %parallel_loop3A_317 = arith.andi %parallel_loop3A_315, %parallel_loop3A_316 : vector<16xi1>
      %parallel_loop3A_318 = arith.select %parallel_loop3A_317, %broadcast_in_dim3A_34, %broadcast_in_dim3A_36 : vector<16xi1>, vector<16xf32>
      %parallel_loop3A_319 = arith.constant 16 : i32
      %parallel_loop3A_320 = arith.muli %parallel_loop3A_319, %parallel_loop3A_240 : i32
      %parallel_loop3A_321 = arith.constant 7 : i32
      %parallel_loop3A_322 = arith.index_cast %parallel_loop3A_321 : i32 to index
      %parallel_loop3A_323 = arith.index_cast %parallel_loop3A_320 : i32 to index
      %parallel_loop3A_324 = tpu.vector_load %arg7[%parallel_loop3A_322, %parallel_loop3A_323] {strides = array<i32>} : memref<8x4096xf32, #tpu.memory_space<vmem>>, vector<16xf32>,
      tpu.vector_store %arg7[%parallel_loop3A_322, %parallel_loop3A_323], %parallel_loop3A_318 {strides = array<i32>} : memref<8x4096xf32, #tpu.memory_space<vmem>>, vector<16xf32>,
    } {sc.loop_unroll_factor = 1 : i64, sc.parallel_access}
    %mul3A_151 = arith.constant 8 : i32
    %mul3A_152 = arith.muli %mul3A_151, %select_n3A : i32
    %add3A_153 = arith.constant 0 : i32
    %add3A_154 = arith.addi %mul3A_32, %add3A_153 : i32
    %dma_start3A_155 = arith.constant 0 : i32
    %dma_start3A_156 = arith.constant 0 : i32
    %dma_start3A_157 = tpu.memref_slice %arg7[%dma_start3A_155, %dma_start3A_156] : memref<8x4096xf32, #tpu.memory_space<vmem>> -> memref<8x1024xf32, #tpu.memory_space<vmem>>
    %dma_start3A_158 = tpu.memref_slice %arg4[%mul3A_152, %add3A_154] : memref<64x16384xf32, #tpu.memory_space<hbm>> -> memref<8x1024xf32, #tpu.memory_space<hbm>>
    %dma_start3A_159 = tpu.memref_slice %arg4[%mul3A_152, %add3A_154] : memref<64x16384xf32, #tpu.memory_space<hbm>> -> memref<8x1024xf32, #tpu.memory_space<hbm>>
    %dma_start3A_160 = arith.constant 0 : i32
    %dma_start3A_161 = arith.constant 0 : i32
    %dma_start3A_162 = tpu.memref_slice %arg7[%dma_start3A_160, %dma_start3A_161] : memref<8x4096xf32, #tpu.memory_space<vmem>> -> memref<8x1024xf32, #tpu.memory_space<vmem>>
    tpu.enqueue_dma source(%dma_start3A_162 : memref<8x1024xf32, #tpu.memory_space<vmem>>) target(%dma_start3A_159 : memref<8x1024xf32, #tpu.memory_space<hbm>>) target_semaphore(%arg8 : memref<!tpu.dma_semaphore, #tpu.memory_space<semaphore_mem>>)
    %parallel_loop3A_163 = arith.constant 64 : i32
    %parallel_loop3A_164 = arith.constant 128 : i32
    %parallel_loop3A_165 = arith.constant 1 : i32
    scf.for %parallel_loop3A_240 = %parallel_loop3A_163 to %parallel_loop3A_164 step %parallel_loop3A_165  : i32 {
      %parallel_loop3A_241 = arith.constant 16 : i32
      %parallel_loop3A_242 = arith.muli %parallel_loop3A_241, %parallel_loop3A_240 : i32
      %parallel_loop3A_243 = arith.index_cast %parallel_loop3A_242 : i32 to index
      %parallel_loop3A_244 = tpu.vector_load %arg5[%parallel_loop3A_243] {strides = array<i32>} : memref<4096xf32, #tpu.memory_space<vmem>>, vector<16xf32>,
      %parallel_loop3A_245 = arith.cmpf oge, %parallel_loop3A_244, %gather3A : vector<16xf32>
      %parallel_loop3A_246 = arith.cmpf ole, %parallel_loop3A_244, %gather3A_91 : vector<16xf32>
      %parallel_loop3A_247 = arith.andi %parallel_loop3A_245, %parallel_loop3A_246 : vector<16xi1>
      %parallel_loop3A_248 = arith.select %parallel_loop3A_247, %broadcast_in_dim3A_34, %broadcast_in_dim3A_36 : vector<16xi1>, vector<16xf32>
      %parallel_loop3A_249 = arith.constant 16 : i32
      %parallel_loop3A_250 = arith.muli %parallel_loop3A_249, %parallel_loop3A_240 : i32
      %parallel_loop3A_251 = arith.constant 0 : i32
      %parallel_loop3A_252 = arith.index_cast %parallel_loop3A_251 : i32 to index
      %parallel_loop3A_253 = arith.index_cast %parallel_loop3A_250 : i32 to index
      %parallel_loop3A_254 = tpu.vector_load %arg7[%parallel_loop3A_252, %parallel_loop3A_253] {strides = array<i32>} : memref<8x4096xf32, #tpu.memory_space<vmem>>, vector<16xf32>,
      tpu.vector_store %arg7[%parallel_loop3A_252, %parallel_loop3A_253], %parallel_loop3A_248 {strides = array<i32>} : memref<8x4096xf32, #tpu.memory_space<vmem>>, vector<16xf32>,
      %parallel_loop3A_255 = arith.cmpf oge, %parallel_loop3A_244, %gather3A_47 : vector<16xf32>
      %parallel_loop3A_256 = arith.cmpf ole, %parallel_loop3A_244, %gather3A_99 : vector<16xf32>
      %parallel_loop3A_257 = arith.andi %parallel_loop3A_255, %parallel_loop3A_256 : vector<16xi1>
      %parallel_loop3A_258 = arith.select %parallel_loop3A_257, %broadcast_in_dim3A_34, %broadcast_in_dim3A_36 : vector<16xi1>, vector<16xf32>
      %parallel_loop3A_259 = arith.constant 16 : i32
      %parallel_loop3A_260 = arith.muli %parallel_loop3A_259, %parallel_loop3A_240 : i32
      %parallel_loop3A_261 = arith.constant 1 : i32
      %parallel_loop3A_262 = arith.index_cast %parallel_loop3A_261 : i32 to index
      %parallel_loop3A_263 = arith.index_cast %parallel_loop3A_260 : i32 to index
      %parallel_loop3A_264 = tpu.vector_load %arg7[%parallel_loop3A_262, %parallel_loop3A_263] {strides = array<i32>} : memref<8x4096xf32, #tpu.memory_space<vmem>>, vector<16xf32>,
      tpu.vector_store %arg7[%parallel_loop3A_262, %parallel_loop3A_263], %parallel_loop3A_258 {strides = array<i32>} : memref<8x4096xf32, #tpu.memory_space<vmem>>, vector<16xf32>,
      %parallel_loop3A_265 = arith.cmpf oge, %parallel_loop3A_244, %gather3A_53 : vector<16xf32>
      %parallel_loop3A_266 = arith.cmpf ole, %parallel_loop3A_244, %gather3A_107 : vector<16xf32>
      %parallel_loop3A_267 = arith.andi %parallel_loop3A_265, %parallel_loop3A_266 : vector<16xi1>
      %parallel_loop3A_268 = arith.select %parallel_loop3A_267, %broadcast_in_dim3A_34, %broadcast_in_dim3A_36 : vector<16xi1>, vector<16xf32>
      %parallel_loop3A_269 = arith.constant 16 : i32
      %parallel_loop3A_270 = arith.muli %parallel_loop3A_269, %parallel_loop3A_240 : i32
      %parallel_loop3A_271 = arith.constant 2 : i32
      %parallel_loop3A_272 = arith.index_cast %parallel_loop3A_271 : i32 to index
      %parallel_loop3A_273 = arith.index_cast %parallel_loop3A_270 : i32 to index
      %parallel_loop3A_274 = tpu.vector_load %arg7[%parallel_loop3A_272, %parallel_loop3A_273] {strides = array<i32>} : memref<8x4096xf32, #tpu.memory_space<vmem>>, vector<16xf32>,
      tpu.vector_store %arg7[%parallel_loop3A_272, %parallel_loop3A_273], %parallel_loop3A_268 {strides = array<i32>} : memref<8x4096xf32, #tpu.memory_space<vmem>>, vector<16xf32>,
      %parallel_loop3A_275 = arith.cmpf oge, %parallel_loop3A_244, %gather3A_59 : vector<16xf32>
      %parallel_loop3A_276 = arith.cmpf ole, %parallel_loop3A_244, %gather3A_115 : vector<16xf32>
      %parallel_loop3A_277 = arith.andi %parallel_loop3A_275, %parallel_loop3A_276 : vector<16xi1>
      %parallel_loop3A_278 = arith.select %parallel_loop3A_277, %broadcast_in_dim3A_34, %broadcast_in_dim3A_36 : vector<16xi1>, vector<16xf32>
      %parallel_loop3A_279 = arith.constant 16 : i32
      %parallel_loop3A_280 = arith.muli %parallel_loop3A_279, %parallel_loop3A_240 : i32
      %parallel_loop3A_281 = arith.constant 3 : i32
      %parallel_loop3A_282 = arith.index_cast %parallel_loop3A_281 : i32 to index
      %parallel_loop3A_283 = arith.index_cast %parallel_loop3A_280 : i32 to index
      %parallel_loop3A_284 = tpu.vector_load %arg7[%parallel_loop3A_282, %parallel_loop3A_283] {strides = array<i32>} : memref<8x4096xf32, #tpu.memory_space<vmem>>, vector<16xf32>,
      tpu.vector_store %arg7[%parallel_loop3A_282, %parallel_loop3A_283], %parallel_loop3A_278 {strides = array<i32>} : memref<8x4096xf32, #tpu.memory_space<vmem>>, vector<16xf32>,
      %parallel_loop3A_285 = arith.cmpf oge, %parallel_loop3A_244, %gather3A_65 : vector<16xf32>
      %parallel_loop3A_286 = arith.cmpf ole, %parallel_loop3A_244, %gather3A_123 : vector<16xf32>
      %parallel_loop3A_287 = arith.andi %parallel_loop3A_285, %parallel_loop3A_286 : vector<16xi1>
      %parallel_loop3A_288 = arith.select %parallel_loop3A_287, %broadcast_in_dim3A_34, %broadcast_in_dim3A_36 : vector<16xi1>, vector<16xf32>
      %parallel_loop3A_289 = arith.constant 16 : i32
      %parallel_loop3A_290 = arith.muli %parallel_loop3A_289, %parallel_loop3A_240 : i32
      %parallel_loop3A_291 = arith.constant 4 : i32
      %parallel_loop3A_292 = arith.index_cast %parallel_loop3A_291 : i32 to index
      %parallel_loop3A_293 = arith.index_cast %parallel_loop3A_290 : i32 to index
      %parallel_loop3A_294 = tpu.vector_load %arg7[%parallel_loop3A_292, %parallel_loop3A_293] {strides = array<i32>} : memref<8x4096xf32, #tpu.memory_space<vmem>>, vector<16xf32>,
      tpu.vector_store %arg7[%parallel_loop3A_292, %parallel_loop3A_293], %parallel_loop3A_288 {strides = array<i32>} : memref<8x4096xf32, #tpu.memory_space<vmem>>, vector<16xf32>,
      %parallel_loop3A_295 = arith.cmpf oge, %parallel_loop3A_244, %gather3A_71 : vector<16xf32>
      %parallel_loop3A_296 = arith.cmpf ole, %parallel_loop3A_244, %gather3A_131 : vector<16xf32>
      %parallel_loop3A_297 = arith.andi %parallel_loop3A_295, %parallel_loop3A_296 : vector<16xi1>
      %parallel_loop3A_298 = arith.select %parallel_loop3A_297, %broadcast_in_dim3A_34, %broadcast_in_dim3A_36 : vector<16xi1>, vector<16xf32>
      %parallel_loop3A_299 = arith.constant 16 : i32
      %parallel_loop3A_300 = arith.muli %parallel_loop3A_299, %parallel_loop3A_240 : i32
      %parallel_loop3A_301 = arith.constant 5 : i32
      %parallel_loop3A_302 = arith.index_cast %parallel_loop3A_301 : i32 to index
      %parallel_loop3A_303 = arith.index_cast %parallel_loop3A_300 : i32 to index
      %parallel_loop3A_304 = tpu.vector_load %arg7[%parallel_loop3A_302, %parallel_loop3A_303] {strides = array<i32>} : memref<8x4096xf32, #tpu.memory_space<vmem>>, vector<16xf32>,
      tpu.vector_store %arg7[%parallel_loop3A_302, %parallel_loop3A_303], %parallel_loop3A_298 {strides = array<i32>} : memref<8x4096xf32, #tpu.memory_space<vmem>>, vector<16xf32>,
      %parallel_loop3A_305 = arith.cmpf oge, %parallel_loop3A_244, %gather3A_77 : vector<16xf32>
      %parallel_loop3A_306 = arith.cmpf ole, %parallel_loop3A_244, %gather3A_139 : vector<16xf32>
      %parallel_loop3A_307 = arith.andi %parallel_loop3A_305, %parallel_loop3A_306 : vector<16xi1>
      %parallel_loop3A_308 = arith.select %parallel_loop3A_307, %broadcast_in_dim3A_34, %broadcast_in_dim3A_36 : vector<16xi1>, vector<16xf32>
      %parallel_loop3A_309 = arith.constant 16 : i32
      %parallel_loop3A_310 = arith.muli %parallel_loop3A_309, %parallel_loop3A_240 : i32
      %parallel_loop3A_311 = arith.constant 6 : i32
      %parallel_loop3A_312 = arith.index_cast %parallel_loop3A_311 : i32 to index
      %parallel_loop3A_313 = arith.index_cast %parallel_loop3A_310 : i32 to index
      %parallel_loop3A_314 = tpu.vector_load %arg7[%parallel_loop3A_312, %parallel_loop3A_313] {strides = array<i32>} : memref<8x4096xf32, #tpu.memory_space<vmem>>, vector<16xf32>,
      tpu.vector_store %arg7[%parallel_loop3A_312, %parallel_loop3A_313], %parallel_loop3A_308 {strides = array<i32>} : memref<8x4096xf32, #tpu.memory_space<vmem>>, vector<16xf32>,
      %parallel_loop3A_315 = arith.cmpf oge, %parallel_loop3A_244, %gather3A_83 : vector<16xf32>
      %parallel_loop3A_316 = arith.cmpf ole, %parallel_loop3A_244, %gather3A_147 : vector<16xf32>
      %parallel_loop3A_317 = arith.andi %parallel_loop3A_315, %parallel_loop3A_316 : vector<16xi1>
      %parallel_loop3A_318 = arith.select %parallel_loop3A_317, %broadcast_in_dim3A_34, %broadcast_in_dim3A_36 : vector<16xi1>, vector<16xf32>
      %parallel_loop3A_319 = arith.constant 16 : i32
      %parallel_loop3A_320 = arith.muli %parallel_loop3A_319, %parallel_loop3A_240 : i32
      %parallel_loop3A_321 = arith.constant 7 : i32
      %parallel_loop3A_322 = arith.index_cast %parallel_loop3A_321 : i32 to index
      %parallel_loop3A_323 = arith.index_cast %parallel_loop3A_320 : i32 to index
      %parallel_loop3A_324 = tpu.vector_load %arg7[%parallel_loop3A_322, %parallel_loop3A_323] {strides = array<i32>} : memref<8x4096xf32, #tpu.memory_space<vmem>>, vector<16xf32>,
      tpu.vector_store %arg7[%parallel_loop3A_322, %parallel_loop3A_323], %parallel_loop3A_318 {strides = array<i32>} : memref<8x4096xf32, #tpu.memory_space<vmem>>, vector<16xf32>,
    } {sc.loop_unroll_factor = 1 : i64, sc.parallel_access}
    %mul3A_166 = arith.constant 8 : i32
    %mul3A_167 = arith.muli %mul3A_166, %select_n3A : i32
    %add3A_168 = arith.constant 1024 : i32
    %add3A_169 = arith.addi %mul3A_32, %add3A_168 : i32
    %dma_start3A_170 = arith.constant 0 : i32
    %dma_start3A_171 = arith.constant 1024 : i32
    %dma_start3A_172 = tpu.memref_slice %arg7[%dma_start3A_170, %dma_start3A_171] : memref<8x4096xf32, #tpu.memory_space<vmem>> -> memref<8x1024xf32, #tpu.memory_space<vmem>>
    %dma_start3A_173 = tpu.memref_slice %arg4[%mul3A_167, %add3A_169] : memref<64x16384xf32, #tpu.memory_space<hbm>> -> memref<8x1024xf32, #tpu.memory_space<hbm>>
    %dma_start3A_174 = tpu.memref_slice %arg4[%mul3A_167, %add3A_169] : memref<64x16384xf32, #tpu.memory_space<hbm>> -> memref<8x1024xf32, #tpu.memory_space<hbm>>
    %dma_start3A_175 = arith.constant 0 : i32
    %dma_start3A_176 = arith.constant 1024 : i32
    %dma_start3A_177 = tpu.memref_slice %arg7[%dma_start3A_175, %dma_start3A_176] : memref<8x4096xf32, #tpu.memory_space<vmem>> -> memref<8x1024xf32, #tpu.memory_space<vmem>>
    tpu.enqueue_dma source(%dma_start3A_177 : memref<8x1024xf32, #tpu.memory_space<vmem>>) target(%dma_start3A_174 : memref<8x1024xf32, #tpu.memory_space<hbm>>) target_semaphore(%arg8 : memref<!tpu.dma_semaphore, #tpu.memory_space<semaphore_mem>>)
    %parallel_loop3A_178 = arith.constant 128 : i32
    %parallel_loop3A_179 = arith.constant 192 : i32
    %parallel_loop3A_180 = arith.constant 1 : i32
    scf.for %parallel_loop3A_240 = %parallel_loop3A_178 to %parallel_loop3A_179 step %parallel_loop3A_180  : i32 {
      %parallel_loop3A_241 = arith.constant 16 : i32
      %parallel_loop3A_242 = arith.muli %parallel_loop3A_241, %parallel_loop3A_240 : i32
      %parallel_loop3A_243 = arith.index_cast %parallel_loop3A_242 : i32 to index
      %parallel_loop3A_244 = tpu.vector_load %arg5[%parallel_loop3A_243] {strides = array<i32>} : memref<4096xf32, #tpu.memory_space<vmem>>, vector<16xf32>,
      %parallel_loop3A_245 = arith.cmpf oge, %parallel_loop3A_244, %gather3A : vector<16xf32>
      %parallel_loop3A_246 = arith.cmpf ole, %parallel_loop3A_244, %gather3A_91 : vector<16xf32>
      %parallel_loop3A_247 = arith.andi %parallel_loop3A_245, %parallel_loop3A_246 : vector<16xi1>
      %parallel_loop3A_248 = arith.select %parallel_loop3A_247, %broadcast_in_dim3A_34, %broadcast_in_dim3A_36 : vector<16xi1>, vector<16xf32>
      %parallel_loop3A_249 = arith.constant 16 : i32
      %parallel_loop3A_250 = arith.muli %parallel_loop3A_249, %parallel_loop3A_240 : i32
      %parallel_loop3A_251 = arith.constant 0 : i32
      %parallel_loop3A_252 = arith.index_cast %parallel_loop3A_251 : i32 to index
      %parallel_loop3A_253 = arith.index_cast %parallel_loop3A_250 : i32 to index
      %parallel_loop3A_254 = tpu.vector_load %arg7[%parallel_loop3A_252, %parallel_loop3A_253] {strides = array<i32>} : memref<8x4096xf32, #tpu.memory_space<vmem>>, vector<16xf32>,
      tpu.vector_store %arg7[%parallel_loop3A_252, %parallel_loop3A_253], %parallel_loop3A_248 {strides = array<i32>} : memref<8x4096xf32, #tpu.memory_space<vmem>>, vector<16xf32>,
      %parallel_loop3A_255 = arith.cmpf oge, %parallel_loop3A_244, %gather3A_47 : vector<16xf32>
      %parallel_loop3A_256 = arith.cmpf ole, %parallel_loop3A_244, %gather3A_99 : vector<16xf32>
      %parallel_loop3A_257 = arith.andi %parallel_loop3A_255, %parallel_loop3A_256 : vector<16xi1>
      %parallel_loop3A_258 = arith.select %parallel_loop3A_257, %broadcast_in_dim3A_34, %broadcast_in_dim3A_36 : vector<16xi1>, vector<16xf32>
      %parallel_loop3A_259 = arith.constant 16 : i32
      %parallel_loop3A_260 = arith.muli %parallel_loop3A_259, %parallel_loop3A_240 : i32
      %parallel_loop3A_261 = arith.constant 1 : i32
      %parallel_loop3A_262 = arith.index_cast %parallel_loop3A_261 : i32 to index
      %parallel_loop3A_263 = arith.index_cast %parallel_loop3A_260 : i32 to index
      %parallel_loop3A_264 = tpu.vector_load %arg7[%parallel_loop3A_262, %parallel_loop3A_263] {strides = array<i32>} : memref<8x4096xf32, #tpu.memory_space<vmem>>, vector<16xf32>,
      tpu.vector_store %arg7[%parallel_loop3A_262, %parallel_loop3A_263], %parallel_loop3A_258 {strides = array<i32>} : memref<8x4096xf32, #tpu.memory_space<vmem>>, vector<16xf32>,
      %parallel_loop3A_265 = arith.cmpf oge, %parallel_loop3A_244, %gather3A_53 : vector<16xf32>
      %parallel_loop3A_266 = arith.cmpf ole, %parallel_loop3A_244, %gather3A_107 : vector<16xf32>
      %parallel_loop3A_267 = arith.andi %parallel_loop3A_265, %parallel_loop3A_266 : vector<16xi1>
      %parallel_loop3A_268 = arith.select %parallel_loop3A_267, %broadcast_in_dim3A_34, %broadcast_in_dim3A_36 : vector<16xi1>, vector<16xf32>
      %parallel_loop3A_269 = arith.constant 16 : i32
      %parallel_loop3A_270 = arith.muli %parallel_loop3A_269, %parallel_loop3A_240 : i32
      %parallel_loop3A_271 = arith.constant 2 : i32
      %parallel_loop3A_272 = arith.index_cast %parallel_loop3A_271 : i32 to index
      %parallel_loop3A_273 = arith.index_cast %parallel_loop3A_270 : i32 to index
      %parallel_loop3A_274 = tpu.vector_load %arg7[%parallel_loop3A_272, %parallel_loop3A_273] {strides = array<i32>} : memref<8x4096xf32, #tpu.memory_space<vmem>>, vector<16xf32>,
      tpu.vector_store %arg7[%parallel_loop3A_272, %parallel_loop3A_273], %parallel_loop3A_268 {strides = array<i32>} : memref<8x4096xf32, #tpu.memory_space<vmem>>, vector<16xf32>,
      %parallel_loop3A_275 = arith.cmpf oge, %parallel_loop3A_244, %gather3A_59 : vector<16xf32>
      %parallel_loop3A_276 = arith.cmpf ole, %parallel_loop3A_244, %gather3A_115 : vector<16xf32>
      %parallel_loop3A_277 = arith.andi %parallel_loop3A_275, %parallel_loop3A_276 : vector<16xi1>
      %parallel_loop3A_278 = arith.select %parallel_loop3A_277, %broadcast_in_dim3A_34, %broadcast_in_dim3A_36 : vector<16xi1>, vector<16xf32>
      %parallel_loop3A_279 = arith.constant 16 : i32
      %parallel_loop3A_280 = arith.muli %parallel_loop3A_279, %parallel_loop3A_240 : i32
      %parallel_loop3A_281 = arith.constant 3 : i32
      %parallel_loop3A_282 = arith.index_cast %parallel_loop3A_281 : i32 to index
      %parallel_loop3A_283 = arith.index_cast %parallel_loop3A_280 : i32 to index
      %parallel_loop3A_284 = tpu.vector_load %arg7[%parallel_loop3A_282, %parallel_loop3A_283] {strides = array<i32>} : memref<8x4096xf32, #tpu.memory_space<vmem>>, vector<16xf32>,
      tpu.vector_store %arg7[%parallel_loop3A_282, %parallel_loop3A_283], %parallel_loop3A_278 {strides = array<i32>} : memref<8x4096xf32, #tpu.memory_space<vmem>>, vector<16xf32>,
      %parallel_loop3A_285 = arith.cmpf oge, %parallel_loop3A_244, %gather3A_65 : vector<16xf32>
      %parallel_loop3A_286 = arith.cmpf ole, %parallel_loop3A_244, %gather3A_123 : vector<16xf32>
      %parallel_loop3A_287 = arith.andi %parallel_loop3A_285, %parallel_loop3A_286 : vector<16xi1>
      %parallel_loop3A_288 = arith.select %parallel_loop3A_287, %broadcast_in_dim3A_34, %broadcast_in_dim3A_36 : vector<16xi1>, vector<16xf32>
      %parallel_loop3A_289 = arith.constant 16 : i32
      %parallel_loop3A_290 = arith.muli %parallel_loop3A_289, %parallel_loop3A_240 : i32
      %parallel_loop3A_291 = arith.constant 4 : i32
      %parallel_loop3A_292 = arith.index_cast %parallel_loop3A_291 : i32 to index
      %parallel_loop3A_293 = arith.index_cast %parallel_loop3A_290 : i32 to index
      %parallel_loop3A_294 = tpu.vector_load %arg7[%parallel_loop3A_292, %parallel_loop3A_293] {strides = array<i32>} : memref<8x4096xf32, #tpu.memory_space<vmem>>, vector<16xf32>,
      tpu.vector_store %arg7[%parallel_loop3A_292, %parallel_loop3A_293], %parallel_loop3A_288 {strides = array<i32>} : memref<8x4096xf32, #tpu.memory_space<vmem>>, vector<16xf32>,
      %parallel_loop3A_295 = arith.cmpf oge, %parallel_loop3A_244, %gather3A_71 : vector<16xf32>
      %parallel_loop3A_296 = arith.cmpf ole, %parallel_loop3A_244, %gather3A_131 : vector<16xf32>
      %parallel_loop3A_297 = arith.andi %parallel_loop3A_295, %parallel_loop3A_296 : vector<16xi1>
      %parallel_loop3A_298 = arith.select %parallel_loop3A_297, %broadcast_in_dim3A_34, %broadcast_in_dim3A_36 : vector<16xi1>, vector<16xf32>
      %parallel_loop3A_299 = arith.constant 16 : i32
      %parallel_loop3A_300 = arith.muli %parallel_loop3A_299, %parallel_loop3A_240 : i32
      %parallel_loop3A_301 = arith.constant 5 : i32
      %parallel_loop3A_302 = arith.index_cast %parallel_loop3A_301 : i32 to index
      %parallel_loop3A_303 = arith.index_cast %parallel_loop3A_300 : i32 to index
      %parallel_loop3A_304 = tpu.vector_load %arg7[%parallel_loop3A_302, %parallel_loop3A_303] {strides = array<i32>} : memref<8x4096xf32, #tpu.memory_space<vmem>>, vector<16xf32>,
      tpu.vector_store %arg7[%parallel_loop3A_302, %parallel_loop3A_303], %parallel_loop3A_298 {strides = array<i32>} : memref<8x4096xf32, #tpu.memory_space<vmem>>, vector<16xf32>,
      %parallel_loop3A_305 = arith.cmpf oge, %parallel_loop3A_244, %gather3A_77 : vector<16xf32>
      %parallel_loop3A_306 = arith.cmpf ole, %parallel_loop3A_244, %gather3A_139 : vector<16xf32>
      %parallel_loop3A_307 = arith.andi %parallel_loop3A_305, %parallel_loop3A_306 : vector<16xi1>
      %parallel_loop3A_308 = arith.select %parallel_loop3A_307, %broadcast_in_dim3A_34, %broadcast_in_dim3A_36 : vector<16xi1>, vector<16xf32>
      %parallel_loop3A_309 = arith.constant 16 : i32
      %parallel_loop3A_310 = arith.muli %parallel_loop3A_309, %parallel_loop3A_240 : i32
      %parallel_loop3A_311 = arith.constant 6 : i32
      %parallel_loop3A_312 = arith.index_cast %parallel_loop3A_311 : i32 to index
      %parallel_loop3A_313 = arith.index_cast %parallel_loop3A_310 : i32 to index
      %parallel_loop3A_314 = tpu.vector_load %arg7[%parallel_loop3A_312, %parallel_loop3A_313] {strides = array<i32>} : memref<8x4096xf32, #tpu.memory_space<vmem>>, vector<16xf32>,
      tpu.vector_store %arg7[%parallel_loop3A_312, %parallel_loop3A_313], %parallel_loop3A_308 {strides = array<i32>} : memref<8x4096xf32, #tpu.memory_space<vmem>>, vector<16xf32>,
      %parallel_loop3A_315 = arith.cmpf oge, %parallel_loop3A_244, %gather3A_83 : vector<16xf32>
      %parallel_loop3A_316 = arith.cmpf ole, %parallel_loop3A_244, %gather3A_147 : vector<16xf32>
      %parallel_loop3A_317 = arith.andi %parallel_loop3A_315, %parallel_loop3A_316 : vector<16xi1>
      %parallel_loop3A_318 = arith.select %parallel_loop3A_317, %broadcast_in_dim3A_34, %broadcast_in_dim3A_36 : vector<16xi1>, vector<16xf32>
      %parallel_loop3A_319 = arith.constant 16 : i32
      %parallel_loop3A_320 = arith.muli %parallel_loop3A_319, %parallel_loop3A_240 : i32
      %parallel_loop3A_321 = arith.constant 7 : i32
      %parallel_loop3A_322 = arith.index_cast %parallel_loop3A_321 : i32 to index
      %parallel_loop3A_323 = arith.index_cast %parallel_loop3A_320 : i32 to index
      %parallel_loop3A_324 = tpu.vector_load %arg7[%parallel_loop3A_322, %parallel_loop3A_323] {strides = array<i32>} : memref<8x4096xf32, #tpu.memory_space<vmem>>, vector<16xf32>,
      tpu.vector_store %arg7[%parallel_loop3A_322, %parallel_loop3A_323], %parallel_loop3A_318 {strides = array<i32>} : memref<8x4096xf32, #tpu.memory_space<vmem>>, vector<16xf32>,
    } {sc.loop_unroll_factor = 1 : i64, sc.parallel_access}
    %mul3A_181 = arith.constant 8 : i32
    %mul3A_182 = arith.muli %mul3A_181, %select_n3A : i32
    %add3A_183 = arith.constant 2048 : i32
    %add3A_184 = arith.addi %mul3A_32, %add3A_183 : i32
    %dma_start3A_185 = arith.constant 0 : i32
    %dma_start3A_186 = arith.constant 2048 : i32
    %dma_start3A_187 = tpu.memref_slice %arg7[%dma_start3A_185, %dma_start3A_186] : memref<8x4096xf32, #tpu.memory_space<vmem>> -> memref<8x1024xf32, #tpu.memory_space<vmem>>
    %dma_start3A_188 = tpu.memref_slice %arg4[%mul3A_182, %add3A_184] : memref<64x16384xf32, #tpu.memory_space<hbm>> -> memref<8x1024xf32, #tpu.memory_space<hbm>>
    %dma_start3A_189 = tpu.memref_slice %arg4[%mul3A_182, %add3A_184] : memref<64x16384xf32, #tpu.memory_space<hbm>> -> memref<8x1024xf32, #tpu.memory_space<hbm>>
    %dma_start3A_190 = arith.constant 0 : i32
    %dma_start3A_191 = arith.constant 2048 : i32
    %dma_start3A_192 = tpu.memref_slice %arg7[%dma_start3A_190, %dma_start3A_191] : memref<8x4096xf32, #tpu.memory_space<vmem>> -> memref<8x1024xf32, #tpu.memory_space<vmem>>
    tpu.enqueue_dma source(%dma_start3A_192 : memref<8x1024xf32, #tpu.memory_space<vmem>>) target(%dma_start3A_189 : memref<8x1024xf32, #tpu.memory_space<hbm>>) target_semaphore(%arg8 : memref<!tpu.dma_semaphore, #tpu.memory_space<semaphore_mem>>)
    %parallel_loop3A_193 = arith.constant 192 : i32
    %parallel_loop3A_194 = arith.constant 256 : i32
    %parallel_loop3A_195 = arith.constant 1 : i32
    scf.for %parallel_loop3A_240 = %parallel_loop3A_193 to %parallel_loop3A_194 step %parallel_loop3A_195  : i32 {
      %parallel_loop3A_241 = arith.constant 16 : i32
      %parallel_loop3A_242 = arith.muli %parallel_loop3A_241, %parallel_loop3A_240 : i32
      %parallel_loop3A_243 = arith.index_cast %parallel_loop3A_242 : i32 to index
      %parallel_loop3A_244 = tpu.vector_load %arg5[%parallel_loop3A_243] {strides = array<i32>} : memref<4096xf32, #tpu.memory_space<vmem>>, vector<16xf32>,
      %parallel_loop3A_245 = arith.cmpf oge, %parallel_loop3A_244, %gather3A : vector<16xf32>
      %parallel_loop3A_246 = arith.cmpf ole, %parallel_loop3A_244, %gather3A_91 : vector<16xf32>
      %parallel_loop3A_247 = arith.andi %parallel_loop3A_245, %parallel_loop3A_246 : vector<16xi1>
      %parallel_loop3A_248 = arith.select %parallel_loop3A_247, %broadcast_in_dim3A_34, %broadcast_in_dim3A_36 : vector<16xi1>, vector<16xf32>
      %parallel_loop3A_249 = arith.constant 16 : i32
      %parallel_loop3A_250 = arith.muli %parallel_loop3A_249, %parallel_loop3A_240 : i32
      %parallel_loop3A_251 = arith.constant 0 : i32
      %parallel_loop3A_252 = arith.index_cast %parallel_loop3A_251 : i32 to index
      %parallel_loop3A_253 = arith.index_cast %parallel_loop3A_250 : i32 to index
      %parallel_loop3A_254 = tpu.vector_load %arg7[%parallel_loop3A_252, %parallel_loop3A_253] {strides = array<i32>} : memref<8x4096xf32, #tpu.memory_space<vmem>>, vector<16xf32>,
      tpu.vector_store %arg7[%parallel_loop3A_252, %parallel_loop3A_253], %parallel_loop3A_248 {strides = array<i32>} : memref<8x4096xf32, #tpu.memory_space<vmem>>, vector<16xf32>,
      %parallel_loop3A_255 = arith.cmpf oge, %parallel_loop3A_244, %gather3A_47 : vector<16xf32>
      %parallel_loop3A_256 = arith.cmpf ole, %parallel_loop3A_244, %gather3A_99 : vector<16xf32>
      %parallel_loop3A_257 = arith.andi %parallel_loop3A_255, %parallel_loop3A_256 : vector<16xi1>
      %parallel_loop3A_258 = arith.select %parallel_loop3A_257, %broadcast_in_dim3A_34, %broadcast_in_dim3A_36 : vector<16xi1>, vector<16xf32>
      %parallel_loop3A_259 = arith.constant 16 : i32
      %parallel_loop3A_260 = arith.muli %parallel_loop3A_259, %parallel_loop3A_240 : i32
      %parallel_loop3A_261 = arith.constant 1 : i32
      %parallel_loop3A_262 = arith.index_cast %parallel_loop3A_261 : i32 to index
      %parallel_loop3A_263 = arith.index_cast %parallel_loop3A_260 : i32 to index
      %parallel_loop3A_264 = tpu.vector_load %arg7[%parallel_loop3A_262, %parallel_loop3A_263] {strides = array<i32>} : memref<8x4096xf32, #tpu.memory_space<vmem>>, vector<16xf32>,
      tpu.vector_store %arg7[%parallel_loop3A_262, %parallel_loop3A_263], %parallel_loop3A_258 {strides = array<i32>} : memref<8x4096xf32, #tpu.memory_space<vmem>>, vector<16xf32>,
      %parallel_loop3A_265 = arith.cmpf oge, %parallel_loop3A_244, %gather3A_53 : vector<16xf32>
      %parallel_loop3A_266 = arith.cmpf ole, %parallel_loop3A_244, %gather3A_107 : vector<16xf32>
      %parallel_loop3A_267 = arith.andi %parallel_loop3A_265, %parallel_loop3A_266 : vector<16xi1>
      %parallel_loop3A_268 = arith.select %parallel_loop3A_267, %broadcast_in_dim3A_34, %broadcast_in_dim3A_36 : vector<16xi1>, vector<16xf32>
      %parallel_loop3A_269 = arith.constant 16 : i32
      %parallel_loop3A_270 = arith.muli %parallel_loop3A_269, %parallel_loop3A_240 : i32
      %parallel_loop3A_271 = arith.constant 2 : i32
      %parallel_loop3A_272 = arith.index_cast %parallel_loop3A_271 : i32 to index
      %parallel_loop3A_273 = arith.index_cast %parallel_loop3A_270 : i32 to index
      %parallel_loop3A_274 = tpu.vector_load %arg7[%parallel_loop3A_272, %parallel_loop3A_273] {strides = array<i32>} : memref<8x4096xf32, #tpu.memory_space<vmem>>, vector<16xf32>,
      tpu.vector_store %arg7[%parallel_loop3A_272, %parallel_loop3A_273], %parallel_loop3A_268 {strides = array<i32>} : memref<8x4096xf32, #tpu.memory_space<vmem>>, vector<16xf32>,
      %parallel_loop3A_275 = arith.cmpf oge, %parallel_loop3A_244, %gather3A_59 : vector<16xf32>
      %parallel_loop3A_276 = arith.cmpf ole, %parallel_loop3A_244, %gather3A_115 : vector<16xf32>
      %parallel_loop3A_277 = arith.andi %parallel_loop3A_275, %parallel_loop3A_276 : vector<16xi1>
      %parallel_loop3A_278 = arith.select %parallel_loop3A_277, %broadcast_in_dim3A_34, %broadcast_in_dim3A_36 : vector<16xi1>, vector<16xf32>
      %parallel_loop3A_279 = arith.constant 16 : i32
      %parallel_loop3A_280 = arith.muli %parallel_loop3A_279, %parallel_loop3A_240 : i32
      %parallel_loop3A_281 = arith.constant 3 : i32
      %parallel_loop3A_282 = arith.index_cast %parallel_loop3A_281 : i32 to index
      %parallel_loop3A_283 = arith.index_cast %parallel_loop3A_280 : i32 to index
      %parallel_loop3A_284 = tpu.vector_load %arg7[%parallel_loop3A_282, %parallel_loop3A_283] {strides = array<i32>} : memref<8x4096xf32, #tpu.memory_space<vmem>>, vector<16xf32>,
      tpu.vector_store %arg7[%parallel_loop3A_282, %parallel_loop3A_283], %parallel_loop3A_278 {strides = array<i32>} : memref<8x4096xf32, #tpu.memory_space<vmem>>, vector<16xf32>,
      %parallel_loop3A_285 = arith.cmpf oge, %parallel_loop3A_244, %gather3A_65 : vector<16xf32>
      %parallel_loop3A_286 = arith.cmpf ole, %parallel_loop3A_244, %gather3A_123 : vector<16xf32>
      %parallel_loop3A_287 = arith.andi %parallel_loop3A_285, %parallel_loop3A_286 : vector<16xi1>
      %parallel_loop3A_288 = arith.select %parallel_loop3A_287, %broadcast_in_dim3A_34, %broadcast_in_dim3A_36 : vector<16xi1>, vector<16xf32>
      %parallel_loop3A_289 = arith.constant 16 : i32
      %parallel_loop3A_290 = arith.muli %parallel_loop3A_289, %parallel_loop3A_240 : i32
      %parallel_loop3A_291 = arith.constant 4 : i32
      %parallel_loop3A_292 = arith.index_cast %parallel_loop3A_291 : i32 to index
      %parallel_loop3A_293 = arith.index_cast %parallel_loop3A_290 : i32 to index
      %parallel_loop3A_294 = tpu.vector_load %arg7[%parallel_loop3A_292, %parallel_loop3A_293] {strides = array<i32>} : memref<8x4096xf32, #tpu.memory_space<vmem>>, vector<16xf32>,
      tpu.vector_store %arg7[%parallel_loop3A_292, %parallel_loop3A_293], %parallel_loop3A_288 {strides = array<i32>} : memref<8x4096xf32, #tpu.memory_space<vmem>>, vector<16xf32>,
      %parallel_loop3A_295 = arith.cmpf oge, %parallel_loop3A_244, %gather3A_71 : vector<16xf32>
      %parallel_loop3A_296 = arith.cmpf ole, %parallel_loop3A_244, %gather3A_131 : vector<16xf32>
      %parallel_loop3A_297 = arith.andi %parallel_loop3A_295, %parallel_loop3A_296 : vector<16xi1>
      %parallel_loop3A_298 = arith.select %parallel_loop3A_297, %broadcast_in_dim3A_34, %broadcast_in_dim3A_36 : vector<16xi1>, vector<16xf32>
      %parallel_loop3A_299 = arith.constant 16 : i32
      %parallel_loop3A_300 = arith.muli %parallel_loop3A_299, %parallel_loop3A_240 : i32
      %parallel_loop3A_301 = arith.constant 5 : i32
      %parallel_loop3A_302 = arith.index_cast %parallel_loop3A_301 : i32 to index
      %parallel_loop3A_303 = arith.index_cast %parallel_loop3A_300 : i32 to index
      %parallel_loop3A_304 = tpu.vector_load %arg7[%parallel_loop3A_302, %parallel_loop3A_303] {strides = array<i32>} : memref<8x4096xf32, #tpu.memory_space<vmem>>, vector<16xf32>,
      tpu.vector_store %arg7[%parallel_loop3A_302, %parallel_loop3A_303], %parallel_loop3A_298 {strides = array<i32>} : memref<8x4096xf32, #tpu.memory_space<vmem>>, vector<16xf32>,
      %parallel_loop3A_305 = arith.cmpf oge, %parallel_loop3A_244, %gather3A_77 : vector<16xf32>
      %parallel_loop3A_306 = arith.cmpf ole, %parallel_loop3A_244, %gather3A_139 : vector<16xf32>
      %parallel_loop3A_307 = arith.andi %parallel_loop3A_305, %parallel_loop3A_306 : vector<16xi1>
      %parallel_loop3A_308 = arith.select %parallel_loop3A_307, %broadcast_in_dim3A_34, %broadcast_in_dim3A_36 : vector<16xi1>, vector<16xf32>
      %parallel_loop3A_309 = arith.constant 16 : i32
      %parallel_loop3A_310 = arith.muli %parallel_loop3A_309, %parallel_loop3A_240 : i32
      %parallel_loop3A_311 = arith.constant 6 : i32
      %parallel_loop3A_312 = arith.index_cast %parallel_loop3A_311 : i32 to index
      %parallel_loop3A_313 = arith.index_cast %parallel_loop3A_310 : i32 to index
      %parallel_loop3A_314 = tpu.vector_load %arg7[%parallel_loop3A_312, %parallel_loop3A_313] {strides = array<i32>} : memref<8x4096xf32, #tpu.memory_space<vmem>>, vector<16xf32>,
      tpu.vector_store %arg7[%parallel_loop3A_312, %parallel_loop3A_313], %parallel_loop3A_308 {strides = array<i32>} : memref<8x4096xf32, #tpu.memory_space<vmem>>, vector<16xf32>,
      %parallel_loop3A_315 = arith.cmpf oge, %parallel_loop3A_244, %gather3A_83 : vector<16xf32>
      %parallel_loop3A_316 = arith.cmpf ole, %parallel_loop3A_244, %gather3A_147 : vector<16xf32>
      %parallel_loop3A_317 = arith.andi %parallel_loop3A_315, %parallel_loop3A_316 : vector<16xi1>
      %parallel_loop3A_318 = arith.select %parallel_loop3A_317, %broadcast_in_dim3A_34, %broadcast_in_dim3A_36 : vector<16xi1>, vector<16xf32>
      %parallel_loop3A_319 = arith.constant 16 : i32
      %parallel_loop3A_320 = arith.muli %parallel_loop3A_319, %parallel_loop3A_240 : i32
      %parallel_loop3A_321 = arith.constant 7 : i32
      %parallel_loop3A_322 = arith.index_cast %parallel_loop3A_321 : i32 to index
      %parallel_loop3A_323 = arith.index_cast %parallel_loop3A_320 : i32 to index
      %parallel_loop3A_324 = tpu.vector_load %arg7[%parallel_loop3A_322, %parallel_loop3A_323] {strides = array<i32>} : memref<8x4096xf32, #tpu.memory_space<vmem>>, vector<16xf32>,
      tpu.vector_store %arg7[%parallel_loop3A_322, %parallel_loop3A_323], %parallel_loop3A_318 {strides = array<i32>} : memref<8x4096xf32, #tpu.memory_space<vmem>>, vector<16xf32>,
    } {sc.loop_unroll_factor = 1 : i64, sc.parallel_access}
    %mul3A_196 = arith.constant 8 : i32
    %mul3A_197 = arith.muli %mul3A_196, %select_n3A : i32
    %add3A_198 = arith.constant 3072 : i32
    %add3A_199 = arith.addi %mul3A_32, %add3A_198 : i32
    %dma_start3A_200 = arith.constant 0 : i32
    %dma_start3A_201 = arith.constant 3072 : i32
    %dma_start3A_202 = tpu.memref_slice %arg7[%dma_start3A_200, %dma_start3A_201] : memref<8x4096xf32, #tpu.memory_space<vmem>> -> memref<8x1024xf32, #tpu.memory_space<vmem>>
    %dma_start3A_203 = tpu.memref_slice %arg4[%mul3A_197, %add3A_199] : memref<64x16384xf32, #tpu.memory_space<hbm>> -> memref<8x1024xf32, #tpu.memory_space<hbm>>
    %dma_start3A_204 = tpu.memref_slice %arg4[%mul3A_197, %add3A_199] : memref<64x16384xf32, #tpu.memory_space<hbm>> -> memref<8x1024xf32, #tpu.memory_space<hbm>>
    %dma_start3A_205 = arith.constant 0 : i32
    %dma_start3A_206 = arith.constant 3072 : i32
    %dma_start3A_207 = tpu.memref_slice %arg7[%dma_start3A_205, %dma_start3A_206] : memref<8x4096xf32, #tpu.memory_space<vmem>> -> memref<8x1024xf32, #tpu.memory_space<vmem>>
    tpu.enqueue_dma source(%dma_start3A_207 : memref<8x1024xf32, #tpu.memory_space<vmem>>) target(%dma_start3A_204 : memref<8x1024xf32, #tpu.memory_space<hbm>>) target_semaphore(%arg8 : memref<!tpu.dma_semaphore, #tpu.memory_space<semaphore_mem>>)
    %dma_wait3A_208 = arith.constant 0 : i32
    %dma_wait3A_209 = arith.constant 0 : i32
    %dma_wait3A_210 = tpu.memref_slice %arg7[%dma_wait3A_208, %dma_wait3A_209] : memref<8x4096xf32, #tpu.memory_space<vmem>> -> memref<8x1024xf32, #tpu.memory_space<vmem>>
    %dma_wait3A_211 = tpu.memref_slice %arg4[%mul3A_152, %add3A_154] : memref<64x16384xf32, #tpu.memory_space<hbm>> -> memref<8x1024xf32, #tpu.memory_space<hbm>>
    %dma_wait3A_212 = tpu.memref_slice %arg4[%mul3A_152, %add3A_154] : memref<64x16384xf32, #tpu.memory_space<hbm>> -> memref<8x1024xf32, #tpu.memory_space<hbm>>
    %dma_wait3A_213 = arith.constant 0 : i32
    %dma_wait3A_214 = arith.constant 0 : i32
    %dma_wait3A_215 = tpu.memref_slice %arg7[%dma_wait3A_213, %dma_wait3A_214] : memref<8x4096xf32, #tpu.memory_space<vmem>> -> memref<8x1024xf32, #tpu.memory_space<vmem>>
    tpu.wait_dma2 semaphore(%arg8 : memref<!tpu.dma_semaphore, #tpu.memory_space<semaphore_mem>>) src(%dma_wait3A_215 : memref<8x1024xf32, #tpu.memory_space<vmem>>) dst(%dma_wait3A_212 : memref<8x1024xf32, #tpu.memory_space<hbm>>)
    %dma_wait3A_216 = arith.constant 0 : i32
    %dma_wait3A_217 = arith.constant 1024 : i32
    %dma_wait3A_218 = tpu.memref_slice %arg7[%dma_wait3A_216, %dma_wait3A_217] : memref<8x4096xf32, #tpu.memory_space<vmem>> -> memref<8x1024xf32, #tpu.memory_space<vmem>>
    %dma_wait3A_219 = tpu.memref_slice %arg4[%mul3A_167, %add3A_169] : memref<64x16384xf32, #tpu.memory_space<hbm>> -> memref<8x1024xf32, #tpu.memory_space<hbm>>
    %dma_wait3A_220 = tpu.memref_slice %arg4[%mul3A_167, %add3A_169] : memref<64x16384xf32, #tpu.memory_space<hbm>> -> memref<8x1024xf32, #tpu.memory_space<hbm>>
    %dma_wait3A_221 = arith.constant 0 : i32
    %dma_wait3A_222 = arith.constant 1024 : i32
    %dma_wait3A_223 = tpu.memref_slice %arg7[%dma_wait3A_221, %dma_wait3A_222] : memref<8x4096xf32, #tpu.memory_space<vmem>> -> memref<8x1024xf32, #tpu.memory_space<vmem>>
    tpu.wait_dma2 semaphore(%arg8 : memref<!tpu.dma_semaphore, #tpu.memory_space<semaphore_mem>>) src(%dma_wait3A_223 : memref<8x1024xf32, #tpu.memory_space<vmem>>) dst(%dma_wait3A_220 : memref<8x1024xf32, #tpu.memory_space<hbm>>)
    %dma_wait3A_224 = arith.constant 0 : i32
    %dma_wait3A_225 = arith.constant 2048 : i32
    %dma_wait3A_226 = tpu.memref_slice %arg7[%dma_wait3A_224, %dma_wait3A_225] : memref<8x4096xf32, #tpu.memory_space<vmem>> -> memref<8x1024xf32, #tpu.memory_space<vmem>>
    %dma_wait3A_227 = tpu.memref_slice %arg4[%mul3A_182, %add3A_184] : memref<64x16384xf32, #tpu.memory_space<hbm>> -> memref<8x1024xf32, #tpu.memory_space<hbm>>
    %dma_wait3A_228 = tpu.memref_slice %arg4[%mul3A_182, %add3A_184] : memref<64x16384xf32, #tpu.memory_space<hbm>> -> memref<8x1024xf32, #tpu.memory_space<hbm>>
    %dma_wait3A_229 = arith.constant 0 : i32
    %dma_wait3A_230 = arith.constant 2048 : i32
    %dma_wait3A_231 = tpu.memref_slice %arg7[%dma_wait3A_229, %dma_wait3A_230] : memref<8x4096xf32, #tpu.memory_space<vmem>> -> memref<8x1024xf32, #tpu.memory_space<vmem>>
    tpu.wait_dma2 semaphore(%arg8 : memref<!tpu.dma_semaphore, #tpu.memory_space<semaphore_mem>>) src(%dma_wait3A_231 : memref<8x1024xf32, #tpu.memory_space<vmem>>) dst(%dma_wait3A_228 : memref<8x1024xf32, #tpu.memory_space<hbm>>)
    %dma_wait3A_232 = arith.constant 0 : i32
    %dma_wait3A_233 = arith.constant 3072 : i32
    %dma_wait3A_234 = tpu.memref_slice %arg7[%dma_wait3A_232, %dma_wait3A_233] : memref<8x4096xf32, #tpu.memory_space<vmem>> -> memref<8x1024xf32, #tpu.memory_space<vmem>>
    %dma_wait3A_235 = tpu.memref_slice %arg4[%mul3A_197, %add3A_199] : memref<64x16384xf32, #tpu.memory_space<hbm>> -> memref<8x1024xf32, #tpu.memory_space<hbm>>
    %dma_wait3A_236 = tpu.memref_slice %arg4[%mul3A_197, %add3A_199] : memref<64x16384xf32, #tpu.memory_space<hbm>> -> memref<8x1024xf32, #tpu.memory_space<hbm>>
    %dma_wait3A_237 = arith.constant 0 : i32
    %dma_wait3A_238 = arith.constant 3072 : i32
    %dma_wait3A_239 = tpu.memref_slice %arg7[%dma_wait3A_237, %dma_wait3A_238] : memref<8x4096xf32, #tpu.memory_space<vmem>> -> memref<8x1024xf32, #tpu.memory_space<vmem>>
    tpu.wait_dma2 semaphore(%arg8 : memref<!tpu.dma_semaphore, #tpu.memory_space<semaphore_mem>>) src(%dma_wait3A_239 : memref<8x1024xf32, #tpu.memory_space<vmem>>) dst(%dma_wait3A_236 : memref<8x1024xf32, #tpu.memory_space<hbm>>)
    return
  }
}

</mosaic_0001>

<sc_bundles>
// kernel: kernel.3.cloned.1.call-start
scs
__scs_entry_jumppad:
0x0: {  	(pc) =	sbr.rel $0x88, $3  }
0x1: {  	(tag) =	ssettag $0x0;
	lr =	simm.s32 $0x1  }
0x2: {  	[smem:$0x3F9F] =	sst lr;
	_ =	strace $0xD0000000  }
0x3: {  	_ = 	snop  }
0x4: {  	_ = 	snop  }
0x5: {  	_ = 	snop  }
0x6: {  	_ = 	snop  }
0x7: {  	_ = 	snop  }
__scs_overlays_trampoline_lowered:
0x8: {  	[smem:$0x3FAE] =	sst s0  }
0x9: {  	[smem:$0x3FAF] =	sst s1  }
0xa: {  	[smem:$0x3FB0] =	sst s2  }
0xb: {  	[smem:$0x3FB1] =	sst s3  }
0xc: {  	[smem:$0x3FB2] =	sst s4  }
0xd: {  	[smem:$0x3FB3] =	sst s5  }
0xe: {  	[smem:$0x3FB4] =	sst s6  }
0xf: {  	[smem:$0x3FB5] =	sst s7  }
0x10: {  	[smem:$0x3FB6] =	sst s8  }
0x11: {  	[smem:$0x3FB7] =	sst s9;
	s0 =	simm.s32 @!p0 $0x0  }
0x12: {  	s1 =	sld [smem:$0x3F9D];
	s0 =	simm.s32 @p0 $0x1  }
0x13: {  	[smem:$0x3FB8] =	sst s0;
	s0 =	simm.s32 @!p1 $0x0  }
0x14: {  	s2 =	sld [smem:$0x3F9C];
	s0 =	simm.s32 @p1 $0x1  }
0x15: {  	[smem:$0x3FB9] =	sst s0;
	s0 =	simm.s32 @!p2 $0x0  }
0x16: {  	s3 =	sld [smem:$0x3FDB];
	s0 =	simm.s32 @p2 $0x1  }
0x17: {  	s4 =	simm.s32 $0x1BF5;
	[smem:$0x3FBB] =	sst s0  }
0x18: {  	s0 =	sld [smem:$0x3F9E];
	_ =	swait.ge [sflag:s4], $0x0  }
0x19: {  	s7 =	sld [smem:$0x3F9F]  }
0x1a: {  	s8 =	sadd.s32 $0xFFFFE003, lr  }
0x1b: {  	s9 =	sadd.s32 $0xFFFFFEF7, lr;
	s5 =	simm.s32 $0xFFFFFFFF;
	p2 =	slt.u32 s8, $0xFFFFF086  }
0x1c: {  	p1 =	slt.u32 s9, $0xF7A;
	s5 =	simm.s32 @!p2 $0x0  }
0x1d: {  	s5 =	simm.s32 @p1 $0x1;
	p0 =	seq.s32 s7, s2  }
0x1e: {  	s7 =	smul.u32 @!p0 $0xF7A, s2;
	p2 =	seq.s32 @!p0 s5, $0x0  }
0x1f: {  	s9 =	smul.u32 $0xF7A, s1;
	s8 =	simm.s32 @!p0 $0x1BF5;
	p2 =	por !p2, p0  }
0x20: {  	[sflag:s8] =	ssyncset.s32 @!p0 $0xFFFFF086;
	s6 =	sadd.s32 @!p0 s3, s7;
	s7 =	simm.s32 @!p0 $0x108  }
0x21: {  	s3 =	sadd.s32 s3, s9;
	s6 =	sadd.s32 @!p0 $0x88, s6;
	s7 =	simm.s32 @p2 $0x1082  }
0x22: {  	[simem:s7], [sflag:s8] =	dma.local @!p0 [hbm:s6], $0xF7A  }
0x23: {  	s9 =	sor.u32 $0xD0000000, s2;
	s6 =	simm.s32 $0x108;
	_ =	swait.ge @!p0 [sflag:s8], $0x0  }
0x24: {  	s3 =	sadd.s32 $0x88, s3;
	s6 =	simm.s32 @!p1 $0x1082;
	[sflag:s4] =	ssyncset.s32 $0xFFFFF086  }
0x25: {  	[simem:s6], [sflag:s4] =	dma.local [hbm:s3], $0xF7A  }
0x26: {  	[smem:$0x3F9F] =	sst s1;
	(tag) =	ssettag s2;
	_ =	strace s9  }
0x27: {  	s1 =	sld [smem:$0x3FAF]  }
0x28: {  	s2 =	sld [smem:$0x3FB0]  }
0x29: {  	s4 =	sld [smem:$0x3FB2]  }
0x2a: {  	p0 =	seq.s32 s5, $0x0;
	s5 =	sld [smem:$0x3FB3]  }
0x2b: {  	s6 =	sld [smem:$0x3FB4]  }
0x2c: {  	s7 =	sld [smem:$0x3FB5]  }
0x2d: {  	s3 =	simm.s32 $0x108;
	s8 =	sld [smem:$0x3FB6]  }
0x2e: {  	s3 =	simm.s32 @!p0 $0x1082;
	s9 =	sld [smem:$0x3FB7]  }
0x2f: {  	lr =	sadd.s32 s0, s3;
	s0 =	sld [smem:$0x3FAE]  }
0x30: {  	s3 =	sld [smem:$0x3FB1]  }
0x31: {  	[smem:$0x3FBA] =	sst s10  }
0x32: {  	s10 =	sld [smem:$0x3FB8];
	_ =	sdelay $0x3  }
0x33: {  	p0 =	seq.s32 s10, $0x1;
	s10 =	sld [smem:$0x3FBA];
	_ =	sdelay $0x3  }
0x34: {  	[smem:$0x3FBA] =	sst s10  }
0x35: {  	s10 =	sld [smem:$0x3FB9];
	_ =	sdelay $0x3  }
0x36: {  	p1 =	seq.s32 s10, $0x1;
	s10 =	sld [smem:$0x3FBA];
	_ =	sdelay $0x3  }
0x37: {  	[smem:$0x3FBA] =	sst s10  }
0x38: {  	s10 =	sld [smem:$0x3FBB]  }
0x39: {  	_ = 	snop;
	(pc) =	sbr.ind lr, $3  }
0x3a: {  	_ = 	snop  }
0x3b: {  	_ = 	snop  }
0x3c: {  	p2 =	seq.s32 s10, $0x1;
	s10 =	sld [smem:$0x3FBA]  }
0x3d: {  	_ =	shalt  }
0x3e: {  	_ =	shalt  }
0x3f: {  	_ =	shalt  }
0x40: {  	_ =	shalt  }
0x41: {  	_ =	shalt  }
0x42: {  	_ =	shalt  }
0x43: {  	_ =	shalt  }
0x44: {  	_ =	shalt  }
0x45: {  	_ =	shalt  }
0x46: {  	_ =	shalt  }
0x47: {  	_ =	shalt  }
0x48: {  	_ =	shalt  }
0x49: {  	_ =	shalt  }
0x4a: {  	_ =	shalt  }
0x4b: {  	_ =	shalt  }
0x4c: {  	_ =	shalt  }
0x4d: {  	_ =	shalt  }
0x4e: {  	_ =	shalt  }
0x4f: {  	_ =	shalt  }
0x50: {  	_ =	shalt  }
0x51: {  	_ =	shalt  }
0x52: {  	_ =	shalt  }
0x53: {  	_ =	shalt  }
0x54: {  	_ =	shalt  }
0x55: {  	_ =	shalt  }
0x56: {  	_ =	shalt  }
0x57: {  	_ =	shalt  }
0x58: {  	_ =	shalt  }
0x59: {  	_ =	shalt  }
0x5a: {  	_ =	shalt  }
0x5b: {  	_ =	shalt  }
0x5c: {  	_ =	shalt  }
0x5d: {  	_ =	shalt  }
0x5e: {  	_ =	shalt  }
0x5f: {  	_ =	shalt  }
0x60: {  	_ =	shalt  }
0x61: {  	_ =	shalt  }
0x62: {  	_ =	shalt  }
0x63: {  	_ =	shalt  }
0x64: {  	_ =	shalt  }
0x65: {  	_ =	shalt  }
0x66: {  	_ =	shalt  }
0x67: {  	_ =	shalt  }
0x68: {  	_ =	shalt  }
0x69: {  	_ =	shalt  }
0x6a: {  	_ =	shalt  }
0x6b: {  	_ =	shalt  }
0x6c: {  	_ =	shalt  }
0x6d: {  	_ =	shalt  }
0x6e: {  	_ =	shalt  }
0x6f: {  	_ =	shalt  }
0x70: {  	_ =	shalt  }
0x71: {  	_ =	shalt  }
0x72: {  	_ =	shalt  }
0x73: {  	_ =	shalt  }
0x74: {  	_ =	shalt  }
0x75: {  	_ =	shalt  }
0x76: {  	_ =	shalt  }
0x77: {  	_ =	shalt  }
0x78: {  	_ =	shalt  }
0x79: {  	_ =	shalt  }
0x7a: {  	_ =	shalt  }
0x7b: {  	_ =	shalt  }
0x7c: {  	_ =	shalt  }
0x7d: {  	_ =	shalt  }
0x7e: {  	_ =	shalt  }
0x7f: {  	_ =	shalt  }
0x80: {  	_ =	shalt  }
0x81: {  	_ =	shalt  }
0x82: {  	_ =	shalt  }
0x83: {  	_ =	shalt  }
0x84: {  	_ =	shalt  }
0x85: {  	_ =	shalt  }
0x86: {  	_ =	shalt  }
0x87: {  	_ =	shalt  }
.Lfunc_end0:
.L_simem_size_0:
called_computation_lowered:
.L_overlay_start_0:
0x88: {  	s2 =	sld [smem:$0x3FD9]  }
0x89: {  	s3 =	sld [smem:$0x3FFE];
	_ =	sdelay $0x1  }
0x8a: {  	s1 =	srdreg.scid  }
0x8b: {  	s0 =	sand.u32 $0x1, s1  }
0x8c: {  	s17 =	sshll.u32 s0, $0xA;
	s2 =	sadd.s32 s3, s2  }
0x8d: {  	s2 =	sadd.s32 s2, s17  }
0x8e: {  	[smem:$0x3FC6] =	sst s2  }
0x8f: {  	_ = 	snop  }
0x90: {  	s2 =	sld [smem:$0x3FC9]  }
0x91: {  	s18 =	sld [smem:$0x3FD0];
	(tm) =	ssettm $0x1  }
0x92: {  	s4 =	sld [smem:$0x3FFB];
	_ =	sdelay $0x3  }
0x93: {  	_ =	strace s4  }
0x94: {  	s4 =	sld [smem:$0x3FFC];
	_ =	sdelay $0x3  }
0x95: {  	_ =	strace s4  }
0x96: {  	s4 =	sld [smem:$0x3FFD];
	_ =	sdelay $0x3  }
0x97: {  	_ =	strace s4  }
0x98: {  	_ =	strace $0x8FFFFFFF  }
0x99: {  	s19 =	sld [smem:$0x3FDB];
	_ =	sdelay $0x1  }
0x9a: {  	s5 =	simm.s32 $_scs_section_size  }
0x9b: {  	s6 =	simm.s32 $_size__tile_overlayer_lowered;
	s7 =	simm.s32 $_tile_overlayer_lowered  }
0x9c: {  	s22 =	simm.s32 $0x1BFF;
	s21 =	sshll.u32 s7, $0x1;
	s4 =	sadd.s32 s5, s19  }
0x9d: {  	s8 =	simm.s32 $0x0;
	s20 =	sshll.u32 s6, $0x1;
	s6 =	sadd.s32 s21, s4  }
0x9e: {  	[timem:s8], [sflag:s22] =	dma.local [hbm:s6], s20  }
0x9f: {  	_ =	swait.ge [sflag:s22], s20  }
0xa0: {  	s5 =	ssub.s32 $0x0, s20;
	[sflag:s22] =	ssyncset.done $0x0  }
0xa1: {  	[sflag:s22] =	ssyncadd.s32 s5;
	_ =	sdelay $0x1  }
0xa2: {  	s23 =	simm.s32 $0x1B8B  }
0xa3: {  	_ =	swait.ge [sflag:s23], $0x1  }
0xa4: {  	[sflag:s23] =	ssyncset.done $0x0  }
0xa5: {  	s25 =	simm.s32 $0x1B8E;
	s24 =	sld [smem:$0x3FFE];
	[sflag:s23] =	ssyncadd.s32 $0xFFFFFFFF  }
0xa6: {  	s26 =	simm.s32 $execute0_lowered;
	[smem:$0x3FD2] =	sst s25  }
0xa7: {  	s6 =	sshll.u32 s26, $0x1;
	_ =	strace $0x80000046;
	[dreg:$0x1] =	wrdreg $0xFFFFFFFF  }
0xa8: {  	s28 =	simm.s32 $_size_execute0_lowered;
	s4 =	sadd.s32 s4, s6;
	[dreg:$0x0] =	wrdreg $0x0  }
0xa9: {  	s6 =	sshll.u32 s28, $0x1;
	[dreg:$0x2] =	wrdreg s4  }
0xaa: {  	[dreg:$0x3] =	wrdreg s6  }
0xab: {  	[dreg:$0x4] =	wrdreg $0xC0  }
0xac: {  	_ =	task [dreg:s8], $0x5FFFF  }
0xad: {  	[dreg:$0x1] =	wrdreg $0xFFFFFFFF  }
0xae: {  	[dreg:$0x0] =	wrdreg $0x60  }
0xaf: {  	[dreg:$0x2] =	wrdreg s2  }
0xb0: {  	[dreg:$0x3] =	wrdreg s24  }
0xb1: {  	[dreg:$0x4] =	wrdreg s18  }
0xb2: {  	[dreg:$0x5] =	wrdreg $0x9  }
0xb3: {  	_ =	task.clear_ibuf [dreg:s8], $0x6FFFF;
	_ =	strace $0x90000046  }
0xb4: {  	s29 =	simm.s32 $0x9;
	_ =	strace $0x80000048  }
0xb5: {  	_ =	swait.ge [sflag:s29], $0x1  }
0xb6: {  	[sflag:s29] =	ssyncadd.s32 $0xFFFFFFFF  }
0xb7: {  	_ =	strace $0x90000048  }
0xb8: {  	_ =	sfence  }
0xb9: {  	s30 =	sld [smem:$0x0];
	_ =	sdelay $0x2  }
0xba: {  	s31 =	sshll.u32 s1, $0xD;
	s1 =	sshrl.u32 s1, $0x2  }
0xbb: {  	s3 =	sand.u32 $0x4000, s31;
	s1 =	sadd.s32 s1, s30  }
0xbc: {  	s0 =	sor.u32 s3, s0;
	s1 =	sshll.u32 s1, $0x11  }
0xbd: {  	s0 =	sor.u32 s1, s0  }
0xbe: {  	s0 =	sadd.s32 $0x8F2B, s0  }
0xbf: {  	[sflag:s0] =	ssyncadd.remote.s32 $0x1  }
0xc0: {  	_ =	sfence.sel $0xFFFF  }
0xc1: {  	[dreg:$0x0] =	wrdreg $0xFFFFFFFF;
	(pc) =	sbr.abs _section_cstart, $3  }
0xc2: {  	[dreg:$0x1] =	wrdreg $0xFFFFFFFF  }
0xc3: {  	_ =	task.clear_ibuf [dreg:s8], $0x2FFFF;
	_ =	strace $0x9FFFFFFF  }
0xc4: {  	(tm) =	ssettm $0x7FFFFFFF  }
0xc5: {  	_ =	shalt  }
tec
execute0_lowered:
.L_overlay_start_1:
0x0: {  	(tag) =	ssettag $0x1  }
0x1: {  	s4 =	rddreg [dreg:$0x0]  }
0x2: {  	s3 =	rddreg [dreg:$0x1]  }
0x3: {  	s6 =	rddreg [dreg:$0x2]  }
0x4: {  	s0 =	rddreg [dreg:$0x3];
	s2 =	simm.s32 $0x0;
	s5 =	srdreg.scid  }
0x5: {  	s1 =	stileid.u32;
	[smem:$0x7FF] =	sst s2;
	s5 =	sand.u32 $0x1, s5  }
0x6: {  	s8 =	sshll.u32 s1, $0x1;
	s3 =	sadd.s32 $0x600, s3;
	s20 =	sshrl.u32 s1, $0x1  }
0x7: {  	_ =	strace $0x80000047;
	s7 =	ssub.s32 $0x2, s5;
	s8 =	sand.u32 $0x2, s8  }
0x8: {  	s10 =	sshll.u32 s20, $0x3;
	s13 =	sshllo.u32 s20, $0x3;
	s28 =	sshll.u32 s20, $0xE  }
0x9: {  	s9 =	sshrl.u32 s7, $0x1;
	s5 =	sor.u32 s5, s8;
	s21 =	sor.u32 $0x1, s10  }
0xa: {  	v0 =	vmov s10;
	s11 =	sor.u32 $0x2, s10;
	s22 =	sor.u32 $0x3, s10;
	s23 =	sor.u32 $0x4, s10  }
0xb: {  	v16 =	vimm.f32 $0.0e+00;
	s12 =	sor.u32 $0x5, s10;
	s24 =	sor.u32 $0x6, s10;
	s14 =	sor.u32 $0x40, s10;
	v7 =	vmov s13;
	v0 =	vbroadcast v0, $0x0  }
0xc: {  	s25 =	sor.u32 $0x41, s10;
	s26 =	sor.u32 $0x42, s10;
	s15 =	sor.u32 $0x43, s10;
	v1 =	vmov s21;
	v2 =	vmov s11;
	v3 =	vmov s22  }
0xd: {  	s16 =	sor.u32 $0x44, s10;
	s17 =	sor.u32 $0x45, s10;
	s29 =	sor.u32 $0x46, s10;
	v4 =	vmov s23;
	v5 =	vmov s12;
	v6 =	vmov s24  }
0xe: {  	s18 =	sor.u32 $0x47, s10;
	s10 =	simm.s32 $0x1000;
	s13 =	simm.s32 $0x1080;
	v8 =	vmov s14;
	v9 =	vmov s25;
	v1 =	vbroadcast v1, $0x0  }
0xf: {  	s9 =	ssub.s32 s7, s9;
	s8 =	sshll.u32 s5, $0xC;
	s5 =	sshll.u32 s5, $0x9;
	v10 =	vmov s26;
	v2 =	vbroadcast v2, $0x0;
	v3 =	vbroadcast v3, $0x0  }
0x10: {  	s7 =	sadd.s32 s6, s28;
	v11 =	vmov s15;
	s11 =	simm.s32 $0x1;
	s12 =	simm.s32 $0x2;
	v4 =	vbroadcast v4, $0x0;
	v5 =	vbroadcast v5, $0x0  }
0x11: {  	v12 =	vmov s16;
	s14 =	simm.s32 $0x3080;
	s15 =	simm.s32 $0x5080;
	s16 =	simm.s32 $0x7080;
	v6 =	vbroadcast v6, $0x0;
	v8 =	vbroadcast v8, $0x0  }
0x12: {  	v13 =	vmov s17;
	s17 =	simm.s32 $0x0;
	s4 =	sadd.s32 s4, s5;
	s30 =	sor.u32 s8, s28;
	v9 =	vbroadcast v9, $0x0;
	v10 =	vbroadcast v10, $0x0  }
0x13: {  	v14 =	vmov s29;
	s5 =	sadd.s32 s8, s7;
	v11 =	vbroadcast v11, $0x0;
	s9 =	smax.u32 s9, $0x1;
	v12 =	vbroadcast v12, $0x0;
	s31 =	sadd.s32 s30, s6  }
0x14: {  	v15 =	vmov s18;
	v13 =	vbroadcast v13, $0x0;
	v14 =	vbroadcast v14, $0x0;
	s6 =	sadd.s32 $0x400, s31;
	s7 =	sadd.s32 $0x800, s31;
	s8 =	sadd.s32 $0xC00, s31  }
.LBB2_1:
0x15: {  	[tilespmem:s2], [sflag:$0x2] =	stream.linear.gather [hbm4b:s4+s2], $0x1000, $0x38;
	[tilespmem:$0x9080] =	vst v63  }
0x16: {  	_ = 	snop  }
0x17: {  	[tilespmem:s10], [sflag:$0x1] =	stream.linear.gather [hbm4b:s3+s2], $0x80, $0x38;
	[tilespmem:$0x9080] =	vst v63  }
0x18: {  	_ =	swait.ge [sflag:s11], $0x80  }
0x19: {  	[sflag:s11] =	ssyncset.done $0x0  }
0x1a: {  	[sflag:s11] =	ssyncadd.s32 $0xFFFFFF80  }
0x1b: {  	v20 =	vld.idx.msk [tilespmem:v0+s10+$0x0], $0xffff  }
0x1c: {  	v21 =	vld.idx.msk [tilespmem:v1+s10+$0x0], $0xffff  }
0x1d: {  	v23 =	vld.idx.msk [tilespmem:v2+s10+$0x0], $0xffff  }
0x1e: {  	v24 =	vld.idx.msk [tilespmem:v3+s10+$0x0], $0xffff  }
0x1f: {  	v25 =	vld.idx.msk [tilespmem:v4+s10+$0x0], $0xffff  }
0x20: {  	v26 =	vld.idx.msk [tilespmem:v5+s10+$0x0], $0xffff  }
0x21: {  	v19 =	vld.idx.msk [tilespmem:v6+s10+$0x0], $0xffff  }
0x22: {  	v17 =	vld.idx.msk [tilespmem:v7+s10+$0x0], $0xffff  }
0x23: {  	v27 =	vld.idx.msk [tilespmem:v8+s10+$0x0], $0xffff  }
0x24: {  	v29 =	vld.idx.msk [tilespmem:v9+s10+$0x0], $0xffff  }
0x25: {  	v30 =	vld.idx.msk [tilespmem:v10+s10+$0x0], $0xffff  }
0x26: {  	v31 =	vld.idx.msk [tilespmem:v11+s10+$0x0], $0xffff  }
0x27: {  	v32 =	vld.idx.msk [tilespmem:v12+s10+$0x0], $0xffff  }
0x28: {  	v28 =	vld.idx.msk [tilespmem:v13+s10+$0x0], $0xffff  }
0x29: {  	v22 =	vld.idx.msk [tilespmem:v14+s10+$0x0], $0xffff  }
0x2a: {  	v18 =	vld.idx.msk [tilespmem:v15+s10+$0x0], $0xffff;
	_ =	swait.ge [sflag:s12], $0x1000  }
0x2b: {  	[sflag:s12] =	ssyncset.done $0x0  }
0x2c: {  	[sflag:s12] =	ssyncadd.s32 $0xFFFFF000  }
0x2d: {  	v33 =	vld [tilespmem:s2+$0x0];
	_ =	sdelay $0x4  }
0x2e: {  	vm2 =	vge.f32 v33, v20;
	vm4 =	vle.f32 v33, v27  }
0x2f: {  	vm5 =	vge.f32 v33, v21;
	vm7 =	vle.f32 v33, v29;
	vm3 =	vge.f32 v33, v23  }
0x30: {  	s18 =	sand.u32 $0x70, s2;
	vm6 =	vle.f32 v33, v30;
	vm0 =	vge.f32 v33, v24;
	vm1 =	vle.f32 v33, v31  }
0x31: {  	s19 =	sand.u32 $0x1C00, s2;
	s21 =	simm.s32 $0x10;
	s22 =	simm.s32 $0x0;
	vm8 =	vmand vm2, vm4;
	vm2 =	vge.f32 v33, v25;
	vm4 =	vle.f32 v33, v32  }
0x32: {  	s20 =	sor.u32 s18, s19;
	s18 =	simm.s32 $0x0;
	s19 =	simm.s32 $0x0;
	vm7 =	vmand vm5, vm7;
	vm5 =	vge.f32 v33, v26;
	v34 =	vsel vm8, $0x3F800000, v16  }
.LBB2_2:
0x33: {  	p0 =	sne.s32 s21, $0x3F0;
	[tilespmem:s20+$0x1080] =	vst v34;
	v34 =	vsel vm7, $0x3F800000, v16;
	vm3 =	vmand vm3, vm6;
	vm6 =	vle.f32 v33, v28;
	s22 =	sadd.s32 $0x10, s22  }
0x34: {  	vm0 =	vmand vm0, vm1;
	vm1 =	vge.f32 v33, v19;
	v35 =	vld [tilespmem:s22+$0x0];
	[tilespmem:s20+$0x1100] =	vst v34;
	v34 =	vsel vm3, $0x3F800000, v16  }
0x35: {  	[tilespmem:s20+$0x1180] =	vst v34;
	v34 =	vsel vm0, $0x3F800000, v16;
	vm0 =	vmand vm2, vm4;
	vm2 =	vle.f32 v33, v22  }
0x36: {  	vm3 =	vge.f32 v33, v17;
	[tilespmem:s20+$0x1200] =	vst v34;
	v34 =	vsel vm0, $0x3F800000, v16;
	vm0 =	vmand vm5, vm6  }
0x37: {  	[tilespmem:s20+$0x1280] =	vst v34;
	v34 =	vsel vm0, $0x3F800000, v16;
	vm0 =	vmand vm1, vm2;
	vm1 =	vle.f32 v33, v18  }
0x38: {  	s23 =	sor.u32 s19, s18;
	s18 =	smov.u32 s21;
	[tilespmem:s20+$0x1300] =	vst v34;
	v36 =	vsel vm0, $0x3F800000, v16;
	vm0 =	vmand vm3, vm1  }
.Ltmp0:
0x39: {  	vm2 =	vge.f32 v35, v20;
	vm4 =	vle.f32 v35, v27;
	[tilespmem:s20+$0x1380] =	vst v36;
	v34 =	vsel vm0, $0x3F800000, v16;
	s20 =	sor.u32 $0x380, s23;
	v33 =	vmovc v35;
	(pc) =	sbr.rel @p0 .LBB2_2-.Ltmp0, $4  }
0x3a: {  	vm5 =	vge.f32 v33, v21;
	vm7 =	vle.f32 v33, v29;
	vm3 =	vge.f32 v33, v23;
	[tilespmem:s20+$0x1080] =	vst v34  }
0x3b: {  	s19 =	sadd.s32 $0x80, s19;
	vm6 =	vle.f32 v33, v30;
	vm0 =	vge.f32 v33, v24;
	vm1 =	vle.f32 v33, v31  }
0x3c: {  	s23 =	sand.u32 $0x1C00, s19;
	s20 =	sand.u32 $0x70, s21;
	vm8 =	vmand vm2, vm4;
	vm2 =	vge.f32 v33, v25;
	vm4 =	vle.f32 v33, v32  }
0x3d: {  	s21 =	sadd.s32 $0x10, s21;
	v34 =	vsel vm8, $0x3F800000, v16;
	s20 =	sor.u32 s20, s23;
	vm7 =	vmand vm5, vm7;
	vm5 =	vge.f32 v33, v26  }
0x3e: {  	[tilespmem:s20+$0x1080] =	vst v34;
	v53 =	vsel vm7, $0x3F800000, v16;
	vm3 =	vmand vm3, vm6;
	vm6 =	vle.f32 v33, v28  }
0x3f: {  	vm0 =	vmand vm0, vm1;
	vm1 =	vge.f32 v33, v19;
	[tilespmem:s20+$0x1100] =	vst v53;
	v54 =	vsel vm3, $0x3F800000, v16  }
0x40: {  	v55 =	vsel vm0, $0x3F800000, v16;
	vm0 =	vmand vm2, vm4;
	vm2 =	vle.f32 v33, v22;
	[tilespmem:s20+$0x1180] =	vst v54  }
0x41: {  	vm3 =	vge.f32 v33, v17;
	[tilespmem:s20+$0x1200] =	vst v55;
	v56 =	vsel vm0, $0x3F800000, v16;
	vm0 =	vmand vm5, vm6  }
0x42: {  	[tilespmem:s20+$0x1280] =	vst v56;
	v57 =	vsel vm0, $0x3F800000, v16;
	vm0 =	vmand vm1, vm2;
	vm1 =	vle.f32 v33, v18  }
0x43: {  	s18 =	sor.u32 s19, s18;
	[tilespmem:s20+$0x1300] =	vst v57;
	v58 =	vsel vm0, $0x3F800000, v16;
	vm0 =	vmand vm3, vm1  }
0x44: {  	s18 =	sor.u32 $0x380, s18;
	[tilespmem:s20+$0x1380] =	vst v58;
	v59 =	vsel vm0, $0x3F800000, v16  }
0x45: {  	s28 =	simm.s32 $0x400;
	[tilespmem:s18+$0x1080] =	vst v59;
	s18 =	simm.s32 $0x0  }
0x46: {  	[hbm4b:s5+s18] =	stream.linear.scatter [tilespmem:s13], [sflag:$0x1], $0x2000, $0x38;
	[tilespmem:$0x9080] =	vst v63  }
0x47: {  	v34 =	vld [tilespmem:s28+$0x0];
	_ =	sdelay $0x4  }
0x48: {  	s19 =	simm.s32 $0x410;
	vm0 =	vge.f32 v34, v20  }
0x49: {  	v33 =	vld [tilespmem:s19+$0x0];
	vm1 =	vle.f32 v34, v27;
	vm2 =	vge.f32 v34, v21;
	vm3 =	vle.f32 v34, v29  }
0x4a: {  	vm4 =	vge.f32 v34, v23;
	vm5 =	vle.f32 v34, v30;
	vm6 =	vge.f32 v34, v24  }
0x4b: {  	vm7 =	vle.f32 v34, v31;
	vm8 =	vle.f32 v34, v32;
	vm0 =	vmand vm0, vm1  }
0x4c: {  	vm1 =	vge.f32 v34, v25;
	v35 =	vsel vm0, $0x3F800000, v16;
	vm0 =	vmand vm2, vm3  }
0x4d: {  	s21 =	simm.s32 $0x2000;
	vm2 =	vge.f32 v34, v26;
	vm3 =	vle.f32 v34, v28;
	v36 =	vsel vm0, $0x3F800000, v16  }
0x4e: {  	s21 =	sand.u32 $0x3C00, s21;
	s20 =	sand.u32 $0x70, s28;
	vm0 =	vmand vm4, vm5;
	vm4 =	vge.f32 v34, v19;
	vm5 =	vle.f32 v33, v32  }
0x4f: {  	s21 =	sor.u32 s20, s21;
	v37 =	vsel vm0, $0x3F800000, v16;
	vm0 =	vmand vm6, vm7;
	vm7 =	vge.f32 v33, v21  }
0x50: {  	[tilespmem:s21+$0x1080] =	vst v35;
	vm6 =	vle.f32 v33, v30;
	v38 =	vsel vm0, $0x3F800000, v16;
	vm0 =	vmand vm1, vm8  }
0x51: {  	[tilespmem:s21+$0x1100] =	vst v36;
	vm1 =	vle.f32 v34, v22;
	vm8 =	vle.f32 v33, v29;
	v60 =	vsel vm0, $0x3F800000, v16  }
0x52: {  	[tilespmem:s21+$0x1180] =	vst v37;
	vm0 =	vmand vm2, vm3;
	vm2 =	vge.f32 v34, v17;
	vm1 =	vmand vm4, vm1  }
0x53: {  	s29 =	sand.u32 $0x7, s18;
	vm3 =	vle.f32 v34, v18;
	[tilespmem:s21+$0x1200] =	vst v38;
	vm4 =	vle.f32 v33, v27;
	vm7 =	vmand vm7, vm8  }
0x54: {  	s20 =	sshll.u32 s29, $0x4;
	v61 =	vsel vm0, $0x3F800000, v16;
	v62 =	vsel vm1, $0x3F800000, v16;
	vm0 =	vmand vm2, vm3;
	[tilespmem:s21+$0x1280] =	vst v60  }
0x55: {  	s22 =	sadd.s32 $0x2000, s20;
	s20 =	simm.s32 $0x2080;
	vm3 =	vge.f32 v33, v20;
	vm2 =	vge.f32 v33, v23;
	vm1 =	vle.f32 v33, v31;
	[tilespmem:s21+$0x1300] =	vst v61  }
0x56: {  	s31 =	sand.u32 $0x70, s19;
	s30 =	sor.u32 $0x380, s22;
	s23 =	sand.u32 $0x3C00, s20;
	v63 =	vsel vm0, $0x3F800000, v16;
	vm0 =	vge.f32 v33, v24;
	[tilespmem:s21+$0x1380] =	vst v62;
	vm3 =	vmand vm3, vm4  }
0x57: {  	s22 =	simm.s32 $0x420;
	vm4 =	vge.f32 v33, v25;
	s21 =	sor.u32 s31, s23;
	[tilespmem:s30+$0x1080] =	vst v63;
	v34 =	vsel vm3, $0x3F800000, v16;
	vm3 =	vge.f32 v33, v26  }
.LBB2_4:
0x58: {  	p0 =	sne.s32 s22, $0x7F0;
	[tilespmem:s21+$0x1080] =	vst v34;
	v34 =	vsel vm7, $0x3F800000, v16;
	vm2 =	vmand vm2, vm6;
	vm6 =	vle.f32 v33, v28;
	s19 =	sadd.s32 $0x10, s19  }
0x59: {  	vm0 =	vmand vm0, vm1;
	vm1 =	vge.f32 v33, v19;
	v35 =	vld [tilespmem:s19+$0x0];
	[tilespmem:s21+$0x1100] =	vst v34;
	v34 =	vsel vm2, $0x3F800000, v16  }
0x5a: {  	s18 =	sadd.s32 $0x1, s18;
	vm2 =	vle.f32 v33, v22;
	[tilespmem:s21+$0x1180] =	vst v34;
	v34 =	vsel vm0, $0x3F800000, v16;
	vm0 =	vmand vm4, vm5  }
0x5b: {  	s23 =	sand.u32 $0x7, s18;
	[tilespmem:s21+$0x1200] =	vst v34;
	v34 =	vsel vm0, $0x3F800000, v16;
	vm0 =	vmand vm3, vm6;
	vm3 =	vge.f32 v33, v17  }
0x5c: {  	s23 =	sshll.u32 s23, $0x4;
	[tilespmem:s21+$0x1280] =	vst v34;
	v34 =	vsel vm0, $0x3F800000, v16;
	vm0 =	vmand vm1, vm2;
	vm1 =	vle.f32 v33, v18  }
0x5d: {  	s23 =	sadd.s32 s23, s20;
	[tilespmem:s21+$0x1300] =	vst v34;
	v36 =	vsel vm0, $0x3F800000, v16;
	vm0 =	vmand vm3, vm1  }
.Ltmp1:
0x5e: {  	vm3 =	vge.f32 v35, v20;
	vm4 =	vle.f32 v35, v27;
	[tilespmem:s21+$0x1380] =	vst v36;
	v34 =	vsel vm0, $0x3F800000, v16;
	s21 =	sor.u32 $0x380, s23;
	v33 =	vmovc v35;
	(pc) =	sbr.rel @p0 .LBB2_4-.Ltmp1, $4  }
0x5f: {  	vm7 =	vge.f32 v33, v21;
	vm8 =	vle.f32 v33, v29;
	vm2 =	vge.f32 v33, v23;
	[tilespmem:s21+$0x1080] =	vst v34  }
0x60: {  	s20 =	sadd.s32 $0x80, s20;
	vm6 =	vle.f32 v33, v30;
	vm0 =	vge.f32 v33, v24;
	vm1 =	vle.f32 v33, v31  }
0x61: {  	s23 =	sand.u32 $0x3C00, s20;
	s21 =	sand.u32 $0x70, s22;
	vm3 =	vmand vm3, vm4;
	vm4 =	vge.f32 v33, v25;
	vm5 =	vle.f32 v33, v32  }
0x62: {  	s22 =	sadd.s32 $0x10, s22;
	v34 =	vsel vm3, $0x3F800000, v16;
	s21 =	sor.u32 s21, s23;
	vm7 =	vmand vm7, vm8;
	vm3 =	vge.f32 v33, v26  }
0x63: {  	[tilespmem:s21+$0x1080] =	vst v34;
	v53 =	vsel vm7, $0x3F800000, v16;
	vm2 =	vmand vm2, vm6;
	vm6 =	vle.f32 v33, v28  }
0x64: {  	vm0 =	vmand vm0, vm1;
	vm1 =	vge.f32 v33, v19;
	[tilespmem:s21+$0x1100] =	vst v53;
	v54 =	vsel vm2, $0x3F800000, v16  }
0x65: {  	s18 =	sadd.s32 $0x1, s18;
	v55 =	vsel vm0, $0x3F800000, v16;
	vm0 =	vmand vm4, vm5;
	vm2 =	vle.f32 v33, v22;
	[tilespmem:s21+$0x1180] =	vst v54  }
0x66: {  	s18 =	sand.u32 $0x7, s18;
	[tilespmem:s21+$0x1200] =	vst v55;
	v56 =	vsel vm0, $0x3F800000, v16;
	vm0 =	vmand vm3, vm6;
	vm3 =	vge.f32 v33, v17  }
0x67: {  	s18 =	sshll.u32 s18, $0x4;
	[tilespmem:s21+$0x1280] =	vst v56;
	v57 =	vsel vm0, $0x3F800000, v16;
	vm0 =	vmand vm1, vm2;
	vm1 =	vle.f32 v33, v18  }
0x68: {  	s18 =	sadd.s32 s18, s20;
	[tilespmem:s21+$0x1300] =	vst v57;
	v58 =	vsel vm0, $0x3F800000, v16;
	vm0 =	vmand vm3, vm1  }
0x69: {  	s18 =	sor.u32 $0x380, s18;
	[tilespmem:s21+$0x1380] =	vst v58;
	v59 =	vsel vm0, $0x3F800000, v16  }
0x6a: {  	s26 =	simm.s32 $0x800;
	[tilespmem:s18+$0x1080] =	vst v59;
	s18 =	simm.s32 $0x0  }
0x6b: {  	[hbm4b:s6+s18] =	stream.linear.scatter [tilespmem:s14], [sflag:$0x1], $0x2000, $0x38;
	[tilespmem:$0x9080] =	vst v63  }
0x6c: {  	v34 =	vld [tilespmem:s26+$0x0];
	_ =	sdelay $0x4  }
0x6d: {  	s19 =	simm.s32 $0x810;
	vm0 =	vge.f32 v34, v20  }
0x6e: {  	v33 =	vld [tilespmem:s19+$0x0];
	vm1 =	vle.f32 v34, v27;
	vm2 =	vge.f32 v34, v21;
	vm3 =	vle.f32 v34, v29  }
0x6f: {  	vm4 =	vge.f32 v34, v23;
	vm5 =	vle.f32 v34, v30;
	vm6 =	vge.f32 v34, v24  }
0x70: {  	vm7 =	vle.f32 v34, v31;
	vm8 =	vle.f32 v34, v32;
	vm0 =	vmand vm0, vm1  }
0x71: {  	vm1 =	vge.f32 v34, v25;
	v35 =	vsel vm0, $0x3F800000, v16;
	vm0 =	vmand vm2, vm3  }
0x72: {  	s28 =	simm.s32 $0x4000;
	vm2 =	vge.f32 v34, v26;
	vm3 =	vle.f32 v34, v28;
	v36 =	vsel vm0, $0x3F800000, v16  }
0x73: {  	s20 =	sand.u32 $0x70, s26;
	s21 =	sand.u32 $0x7C00, s28;
	vm0 =	vmand vm4, vm5;
	vm4 =	vge.f32 v34, v19;
	vm5 =	vle.f32 v33, v32  }
0x74: {  	s21 =	sor.u32 s20, s21;
	v37 =	vsel vm0, $0x3F800000, v16;
	vm0 =	vmand vm6, vm7;
	vm7 =	vge.f32 v33, v21  }
0x75: {  	[tilespmem:s21+$0x1080] =	vst v35;
	vm6 =	vle.f32 v33, v30;
	v38 =	vsel vm0, $0x3F800000, v16;
	vm0 =	vmand vm1, vm8  }
0x76: {  	[tilespmem:s21+$0x1100] =	vst v36;
	vm1 =	vle.f32 v34, v22;
	vm8 =	vle.f32 v33, v29;
	v60 =	vsel vm0, $0x3F800000, v16  }
0x77: {  	[tilespmem:s21+$0x1180] =	vst v37;
	vm0 =	vmand vm2, vm3;
	vm2 =	vge.f32 v34, v17;
	vm1 =	vmand vm4, vm1  }
0x78: {  	s29 =	sand.u32 $0x7, s18;
	vm3 =	vle.f32 v34, v18;
	[tilespmem:s21+$0x1200] =	vst v38;
	vm4 =	vle.f32 v33, v27;
	vm7 =	vmand vm7, vm8  }
0x79: {  	s20 =	sshll.u32 s29, $0x4;
	v61 =	vsel vm0, $0x3F800000, v16;
	v62 =	vsel vm1, $0x3F800000, v16;
	vm0 =	vmand vm2, vm3;
	[tilespmem:s21+$0x1280] =	vst v60  }
0x7a: {  	s22 =	sadd.s32 $0x4000, s20;
	s20 =	simm.s32 $0x4080;
	vm3 =	vge.f32 v33, v20;
	vm2 =	vge.f32 v33, v23;
	vm1 =	vle.f32 v33, v31;
	[tilespmem:s21+$0x1300] =	vst v61  }
0x7b: {  	s31 =	sand.u32 $0x70, s19;
	s30 =	sor.u32 $0x380, s22;
	s23 =	sand.u32 $0x7C00, s20;
	v63 =	vsel vm0, $0x3F800000, v16;
	vm0 =	vge.f32 v33, v24;
	[tilespmem:s21+$0x1380] =	vst v62;
	vm3 =	vmand vm3, vm4  }
0x7c: {  	s22 =	simm.s32 $0x820;
	vm4 =	vge.f32 v33, v25;
	s21 =	sor.u32 s31, s23;
	[tilespmem:s30+$0x1080] =	vst v63;
	v34 =	vsel vm3, $0x3F800000, v16;
	vm3 =	vge.f32 v33, v26  }
.LBB2_6:
0x7d: {  	p0 =	sne.s32 s22, $0xBF0;
	[tilespmem:s21+$0x1080] =	vst v34;
	v34 =	vsel vm7, $0x3F800000, v16;
	vm2 =	vmand vm2, vm6;
	vm6 =	vle.f32 v33, v28;
	s19 =	sadd.s32 $0x10, s19  }
0x7e: {  	vm0 =	vmand vm0, vm1;
	vm1 =	vge.f32 v33, v19;
	v35 =	vld [tilespmem:s19+$0x0];
	[tilespmem:s21+$0x1100] =	vst v34;
	v34 =	vsel vm2, $0x3F800000, v16  }
0x7f: {  	s18 =	sadd.s32 $0x1, s18;
	vm2 =	vle.f32 v33, v22;
	[tilespmem:s21+$0x1180] =	vst v34;
	v34 =	vsel vm0, $0x3F800000, v16;
	vm0 =	vmand vm4, vm5  }
0x80: {  	s23 =	sand.u32 $0x7, s18;
	[tilespmem:s21+$0x1200] =	vst v34;
	v34 =	vsel vm0, $0x3F800000, v16;
	vm0 =	vmand vm3, vm6;
	vm3 =	vge.f32 v33, v17  }
0x81: {  	s23 =	sshll.u32 s23, $0x4;
	[tilespmem:s21+$0x1280] =	vst v34;
	v34 =	vsel vm0, $0x3F800000, v16;
	vm0 =	vmand vm1, vm2;
	vm1 =	vle.f32 v33, v18  }
0x82: {  	s23 =	sadd.s32 s23, s20;
	[tilespmem:s21+$0x1300] =	vst v34;
	v36 =	vsel vm0, $0x3F800000, v16;
	vm0 =	vmand vm3, vm1  }
.Ltmp2:
0x83: {  	vm3 =	vge.f32 v35, v20;
	vm4 =	vle.f32 v35, v27;
	[tilespmem:s21+$0x1380] =	vst v36;
	v34 =	vsel vm0, $0x3F800000, v16;
	s21 =	sor.u32 $0x380, s23;
	v33 =	vmovc v35;
	(pc) =	sbr.rel @p0 .LBB2_6-.Ltmp2, $4  }
0x84: {  	vm7 =	vge.f32 v33, v21;
	vm8 =	vle.f32 v33, v29;
	vm2 =	vge.f32 v33, v23;
	[tilespmem:s21+$0x1080] =	vst v34  }
0x85: {  	s20 =	sadd.s32 $0x80, s20;
	vm6 =	vle.f32 v33, v30;
	vm0 =	vge.f32 v33, v24;
	vm1 =	vle.f32 v33, v31  }
0x86: {  	s23 =	sand.u32 $0x7C00, s20;
	s21 =	sand.u32 $0x70, s22;
	vm3 =	vmand vm3, vm4;
	vm4 =	vge.f32 v33, v25;
	vm5 =	vle.f32 v33, v32  }
0x87: {  	s22 =	sadd.s32 $0x10, s22;
	v34 =	vsel vm3, $0x3F800000, v16;
	s21 =	sor.u32 s21, s23;
	vm7 =	vmand vm7, vm8;
	vm3 =	vge.f32 v33, v26  }
0x88: {  	[tilespmem:s21+$0x1080] =	vst v34;
	v53 =	vsel vm7, $0x3F800000, v16;
	vm2 =	vmand vm2, vm6;
	vm6 =	vle.f32 v33, v28  }
0x89: {  	vm0 =	vmand vm0, vm1;
	vm1 =	vge.f32 v33, v19;
	[tilespmem:s21+$0x1100] =	vst v53;
	v54 =	vsel vm2, $0x3F800000, v16  }
0x8a: {  	s18 =	sadd.s32 $0x1, s18;
	v55 =	vsel vm0, $0x3F800000, v16;
	vm0 =	vmand vm4, vm5;
	vm2 =	vle.f32 v33, v22;
	[tilespmem:s21+$0x1180] =	vst v54  }
0x8b: {  	s18 =	sand.u32 $0x7, s18;
	[tilespmem:s21+$0x1200] =	vst v55;
	v56 =	vsel vm0, $0x3F800000, v16;
	vm0 =	vmand vm3, vm6;
	vm3 =	vge.f32 v33, v17  }
0x8c: {  	s18 =	sshll.u32 s18, $0x4;
	[tilespmem:s21+$0x1280] =	vst v56;
	v57 =	vsel vm0, $0x3F800000, v16;
	vm0 =	vmand vm1, vm2;
	vm1 =	vle.f32 v33, v18  }
0x8d: {  	s18 =	sadd.s32 s18, s20;
	[tilespmem:s21+$0x1300] =	vst v57;
	v58 =	vsel vm0, $0x3F800000, v16;
	vm0 =	vmand vm3, vm1  }
0x8e: {  	s18 =	sor.u32 $0x380, s18;
	[tilespmem:s21+$0x1380] =	vst v58;
	v59 =	vsel vm0, $0x3F800000, v16  }
0x8f: {  	s26 =	simm.s32 $0xC00;
	[tilespmem:s18+$0x1080] =	vst v59;
	s18 =	simm.s32 $0x0  }
0x90: {  	[hbm4b:s7+s18] =	stream.linear.scatter [tilespmem:s15], [sflag:$0x1], $0x2000, $0x38;
	[tilespmem:$0x9080] =	vst v63  }
0x91: {  	v34 =	vld [tilespmem:s26+$0x0];
	_ =	sdelay $0x4  }
0x92: {  	s19 =	simm.s32 $0xC10;
	vm0 =	vge.f32 v34, v20  }
0x93: {  	v33 =	vld [tilespmem:s19+$0x0];
	vm1 =	vle.f32 v34, v27;
	vm2 =	vge.f32 v34, v21;
	vm3 =	vle.f32 v34, v29  }
0x94: {  	vm4 =	vge.f32 v34, v23;
	vm5 =	vle.f32 v34, v30;
	vm6 =	vge.f32 v34, v24  }
0x95: {  	vm7 =	vle.f32 v34, v31;
	vm8 =	vle.f32 v34, v32;
	vm0 =	vmand vm0, vm1  }
0x96: {  	vm1 =	vge.f32 v34, v25;
	v35 =	vsel vm0, $0x3F800000, v16;
	vm0 =	vmand vm2, vm3  }
0x97: {  	s28 =	simm.s32 $0x6000;
	vm2 =	vge.f32 v34, v26;
	vm3 =	vle.f32 v34, v28;
	v36 =	vsel vm0, $0x3F800000, v16  }
0x98: {  	s20 =	sand.u32 $0x70, s26;
	s21 =	sand.u32 $0x7C00, s28;
	vm0 =	vmand vm4, vm5;
	vm4 =	vge.f32 v34, v19;
	vm5 =	vle.f32 v33, v32  }
0x99: {  	s21 =	sor.u32 s20, s21;
	v37 =	vsel vm0, $0x3F800000, v16;
	vm0 =	vmand vm6, vm7;
	vm7 =	vge.f32 v33, v21  }
0x9a: {  	[tilespmem:s21+$0x1080] =	vst v35;
	vm6 =	vle.f32 v33, v30;
	v38 =	vsel vm0, $0x3F800000, v16;
	vm0 =	vmand vm1, vm8  }
0x9b: {  	[tilespmem:s21+$0x1100] =	vst v36;
	vm1 =	vle.f32 v34, v22;
	vm8 =	vle.f32 v33, v29;
	v60 =	vsel vm0, $0x3F800000, v16  }
0x9c: {  	[tilespmem:s21+$0x1180] =	vst v37;
	vm0 =	vmand vm2, vm3;
	vm2 =	vge.f32 v34, v17;
	vm1 =	vmand vm4, vm1  }
0x9d: {  	s29 =	sand.u32 $0x7, s18;
	vm3 =	vle.f32 v34, v18;
	[tilespmem:s21+$0x1200] =	vst v38;
	vm4 =	vle.f32 v33, v27;
	vm7 =	vmand vm7, vm8  }
0x9e: {  	s20 =	sshll.u32 s29, $0x4;
	v61 =	vsel vm0, $0x3F800000, v16;
	v62 =	vsel vm1, $0x3F800000, v16;
	vm0 =	vmand vm2, vm3;
	[tilespmem:s21+$0x1280] =	vst v60  }
0x9f: {  	s22 =	sadd.s32 $0x6000, s20;
	s20 =	simm.s32 $0x6080;
	vm3 =	vge.f32 v33, v20;
	vm2 =	vge.f32 v33, v23;
	vm1 =	vle.f32 v33, v31;
	[tilespmem:s21+$0x1300] =	vst v61  }
0xa0: {  	s31 =	sand.u32 $0x70, s19;
	s30 =	sor.u32 $0x380, s22;
	s23 =	sand.u32 $0x7C00, s20;
	v63 =	vsel vm0, $0x3F800000, v16;
	vm0 =	vge.f32 v33, v24;
	[tilespmem:s21+$0x1380] =	vst v62;
	vm3 =	vmand vm3, vm4  }
0xa1: {  	s22 =	simm.s32 $0xC20;
	vm4 =	vge.f32 v33, v25;
	s21 =	sor.u32 s31, s23;
	[tilespmem:s30+$0x1080] =	vst v63;
	v34 =	vsel vm3, $0x3F800000, v16;
	vm3 =	vge.f32 v33, v26  }
.LBB2_8:
0xa2: {  	p0 =	sne.s32 s22, $0xFF0;
	[tilespmem:s21+$0x1080] =	vst v34;
	v34 =	vsel vm7, $0x3F800000, v16;
	vm2 =	vmand vm2, vm6;
	vm6 =	vle.f32 v33, v28;
	s19 =	sadd.s32 $0x10, s19  }
0xa3: {  	vm0 =	vmand vm0, vm1;
	vm1 =	vge.f32 v33, v19;
	v35 =	vld [tilespmem:s19+$0x0];
	[tilespmem:s21+$0x1100] =	vst v34;
	v34 =	vsel vm2, $0x3F800000, v16  }
0xa4: {  	s18 =	sadd.s32 $0x1, s18;
	vm2 =	vle.f32 v33, v22;
	[tilespmem:s21+$0x1180] =	vst v34;
	v34 =	vsel vm0, $0x3F800000, v16;
	vm0 =	vmand vm4, vm5  }
0xa5: {  	s23 =	sand.u32 $0x7, s18;
	[tilespmem:s21+$0x1200] =	vst v34;
	v34 =	vsel vm0, $0x3F800000, v16;
	vm0 =	vmand vm3, vm6;
	vm3 =	vge.f32 v33, v17  }
0xa6: {  	s23 =	sshll.u32 s23, $0x4;
	[tilespmem:s21+$0x1280] =	vst v34;
	v34 =	vsel vm0, $0x3F800000, v16;
	vm0 =	vmand vm1, vm2;
	vm1 =	vle.f32 v33, v18  }
0xa7: {  	s23 =	sadd.s32 s23, s20;
	[tilespmem:s21+$0x1300] =	vst v34;
	v36 =	vsel vm0, $0x3F800000, v16;
	vm0 =	vmand vm3, vm1  }
.Ltmp3:
0xa8: {  	vm3 =	vge.f32 v35, v20;
	vm4 =	vle.f32 v35, v27;
	[tilespmem:s21+$0x1380] =	vst v36;
	v34 =	vsel vm0, $0x3F800000, v16;
	s21 =	sor.u32 $0x380, s23;
	v33 =	vmovc v35;
	(pc) =	sbr.rel @p0 .LBB2_8-.Ltmp3, $4  }
0xa9: {  	vm7 =	vge.f32 v33, v21;
	vm8 =	vle.f32 v33, v29;
	vm2 =	vge.f32 v33, v23;
	[tilespmem:s21+$0x1080] =	vst v34  }
0xaa: {  	s20 =	sadd.s32 $0x80, s20;
	vm6 =	vle.f32 v33, v30;
	vm0 =	vge.f32 v33, v24;
	vm1 =	vle.f32 v33, v31  }
0xab: {  	s23 =	sand.u32 $0x7C00, s20;
	s21 =	sand.u32 $0x70, s22;
	vm3 =	vmand vm3, vm4;
	vm4 =	vge.f32 v33, v25;
	vm5 =	vle.f32 v33, v32  }
0xac: {  	s22 =	sadd.s32 $0x10, s22;
	v34 =	vsel vm3, $0x3F800000, v16;
	s21 =	sor.u32 s21, s23;
	vm7 =	vmand vm7, vm8;
	vm3 =	vge.f32 v33, v26  }
0xad: {  	[tilespmem:s21+$0x1080] =	vst v34;
	v20 =	vsel vm7, $0x3F800000, v16;
	vm2 =	vmand vm2, vm6;
	vm15 =	vle.f32 v33, v28  }
0xae: {  	vm0 =	vmand vm0, vm1;
	vm8 =	vge.f32 v33, v19;
	[tilespmem:s21+$0x1100] =	vst v20;
	v63 =	vsel vm2, $0x3F800000, v16  }
0xaf: {  	vm9 =	vmand vm4, vm5;
	vm10 =	vle.f32 v33, v22;
	s18 =	sadd.s32 $0x1, s18;
	v19 =	vsel vm0, $0x3F800000, v16;
	[tilespmem:s21+$0x1180] =	vst v63  }
0xb0: {  	vm12 =	vge.f32 v33, v17;
	s18 =	sand.u32 $0x7, s18;
	vm11 =	vmand vm3, vm15;
	[tilespmem:s21+$0x1200] =	vst v19;
	v19 =	vsel vm9, $0x3F800000, v16  }
0xb1: {  	vm14 =	vle.f32 v33, v18;
	vm13 =	vmand vm8, vm10;
	s18 =	sshll.u32 s18, $0x4;
	v17 =	vsel vm11, $0x3F800000, v16;
	[tilespmem:s21+$0x1280] =	vst v19  }
0xb2: {  	vm15 =	vmand vm12, vm14;
	s18 =	sadd.s32 s18, s20;
	[tilespmem:s21+$0x1300] =	vst v17;
	v17 =	vsel vm13, $0x3F800000, v16  }
0xb3: {  	[tilespmem:s21+$0x1380] =	vst v17;
	v17 =	vsel vm15, $0x3F800000, v16;
	s18 =	sor.u32 $0x380, s18  }
0xb4: {  	[tilespmem:s18+$0x1080] =	vst v17  }
0xb5: {  	[hbm4b:s8+s2] =	stream.linear.scatter [tilespmem:s16], [sflag:$0x1], $0x2000, $0x38;
	[tilespmem:$0x9080] =	vst v63  }
0xb6: {  	_ =	swait.ge [sflag:s11], $0x2000  }
0xb7: {  	[sflag:s11] =	ssyncset.done $0x0  }
0xb8: {  	[sflag:s11] =	ssyncadd.s32 $0xFFFFE000  }
0xb9: {  	_ =	swait.ge [sflag:s11], $0x2000  }
0xba: {  	[sflag:s11] =	ssyncset.done $0x0  }
0xbb: {  	s17 =	sadd.s32 $0x1, s17;
	[sflag:s11] =	ssyncadd.s32 $0xFFFFE000  }
0xbc: {  	p0 =	sne.s32 s17, s9;
	_ =	swait.ge [sflag:s11], $0x2000  }
.Ltmp4:
0xbd: {  	[sflag:s11] =	ssyncset.done $0x0;
	(pc) =	sbr.rel @p0 .LBB2_1-.Ltmp4, $4  }
0xbe: {  	[sflag:s11] =	ssyncadd.s32 $0xFFFFE000  }
0xbf: {  	_ =	swait.ge [sflag:s11], $0x2000  }
0xc0: {  	[sflag:s11] =	ssyncset.done $0x0  }
0xc1: {  	[sflag:s11] =	ssyncadd.s32 $0xFFFFE000  }
0xc2: {  	_ =	sfence.sel $0x180000  }
0xc3: {  	[bflag:$0x0] =	sbarrier.arrive $0xFFFF  }
0xc4: {  	p0 =	sne.s32 s1, $0x0;
	_ =	strace $0x90000047  }
0xc5: {  	s0 =	sadd.s32 @!p0 $0x100000, s0;
	[bflag:$0x2] =	sbarrier.arrive $0xFFFF  }
0xc6: {  	[sflag:s0] =	ssyncadd.tile.s32 @!p0 $0x1;
	_ =	shalt  }
.Lfunc_end2:
_tile_overlayer_lowered:
.L_overlay_start_2:
0xc7: {  	(tag) =	ssettag $0x2  }
0xc8: {  	s0 =	rddreg [dreg:$0x0];
	s2 =	stileid.u32  }
0xc9: {  	s1 =	rddreg [dreg:$0x1];
	p0 =	sne.s32 s2, $0x0  }
0xca: {  	s3 =	rddreg [dreg:$0x2];
	[bflag:$0x3] =	sbarrier.arrive $0xFFFF;
	s2 =	simm.s32 @!p0 $0x1C03  }
0xcb: {  	[timem:s3], [sflag:s2] =	dma.local @!p0 [hbm:s0], s1  }
0xcc: {  	s0 =	simm.s32 @!p0 $0x3  }
0xcd: {  	_ =	swait.ge @!p0 [sflag:s0], s1  }
0xce: {  	s1 =	ssub.s32 @!p0 $0x0, s1;
	[sflag:s0] =	ssyncset.done @!p0 $0x0  }
0xcf: {  	[sflag:s0] =	ssyncadd.s32 @!p0 s1  }
0xd0: {  	[bflag:$0x3] =	sbarrier.arrive $0xFFFF  }
0xd1: {  	_ =	shalt  }

</sc_bundles>
